<compile_context>
chip_gen: v7x
topology: tpu7x:2x2x1
jax: 0.10.2.dev20260603
libtpu: 0.0.44.dev20260713+nightly
codegen_flags: <defaults>
</compile_context>

<pallas_src>
import functools

import jax
import jax.numpy as jnp
from jax import lax
from jax.experimental import pallas as pl
from jax.experimental.pallas import tpu as pltpu
from jax.experimental.pallas import tpu_sc as plsc

_B, _C, _H, _W = 4, 96, 224, 224
_OH, _OW = 2 * _H, 2 * _W
_K = 48
_NW = 32
_NTASK = _B * _OH
_TPW = _NTASK // _NW
_INV = float(1.0 / (_OH - 1))


def _sd(v):
    k, _ = plsc.sort_key_val(v, v, descending=True)
    return k


def _sa(v):
    k, _ = plsc.sort_key_val(v, v, descending=False)
    return k


def _top48(v):

    def m_desc(a, b):
        hi = jnp.maximum(a, b)
        lo = jnp.minimum(a, b)
        return [_sd(hi), _sd(lo)]

    def m_asc(a, b):
        hi = jnp.maximum(a, b)
        lo = jnp.minimum(a, b)
        return [_sa(lo), _sa(hi)]

    S1 = m_desc(_sd(v[0]), _sa(v[1]))
    S2 = m_asc(_sd(v[2]), _sa(v[3]))
    S3 = m_asc(_sd(v[4]), _sa(v[5]))
    h0 = jnp.maximum(S1[0], S2[0])
    h1 = jnp.maximum(S1[1], S2[1])
    l0 = jnp.minimum(S1[0], S2[0])
    l1 = jnp.minimum(S1[1], S2[1])
    t0 = _sd(jnp.maximum(h0, h1))
    t1 = _sd(jnp.minimum(h0, h1))
    t2 = _sd(jnp.maximum(l0, l1))
    t3 = _sd(jnp.minimum(l0, l1))
    h2 = jnp.maximum(t2, S3[0])
    h3 = jnp.maximum(t3, S3[1])
    p0 = jnp.maximum(t0, h2)
    p1 = jnp.maximum(t1, h3)
    p2 = jnp.minimum(t0, h2)
    p3 = jnp.minimum(t1, h3)
    q0 = jnp.maximum(p0, p1)
    q1 = jnp.minimum(p0, p1)
    q2 = jnp.maximum(p2, p3)
    return [_sd(q0), _sd(q1), _sd(q2)]


def _body(x_hbm, out_hbm, rows_v, interp_v, out_v, sem_in, sem_out):
    cid = lax.axis_index("c")
    sid = lax.axis_index("s")
    wid = sid * 2 + cid
    lane = lax.iota(jnp.int32, 16)

    def task_idx(j):
        t = wid * _TPW + j
        b = t // _OH
        r = t - b * _OH
        ynum = r * (_H - 1)
        y0 = ynum // (_OH - 1)
        wy = (ynum - y0 * (_OH - 1)).astype(jnp.float32) * _INV
        y0c = jnp.minimum(y0, _H - 2)
        wyc = wy + (y0 - y0c).astype(jnp.float32)
        return b, r, y0c, wyc

    b0, _, y0c0, _ = task_idx(0)
    pltpu.async_copy(x_hbm.at[b0, :, pl.ds(y0c0, 2), :], rows_v.at[0], sem_in)

    def task_body(j, carry):
        p = jnp.bitwise_and(j, 1)
        b, r, y0c, wy = task_idx(j)
        pltpu.make_async_copy(
            x_hbm.at[b, :, pl.ds(y0c, 2), :], rows_v.at[p], sem_in
        ).wait()

        @pl.when(j + 1 < _TPW)
        def _():
            bn, _, y0cn, _ = task_idx(j + 1)
            pltpu.async_copy(
                x_hbm.at[bn, :, pl.ds(y0cn, 2), :], rows_v.at[1 - p], sem_in
            )

        wyv = jnp.full((16,), wy, jnp.float32)

        @plsc.parallel_loop(0, _C, 1, unroll=2)
        def interp_body(c):
            for jj in range(_W // 16):
                a = rows_v[p, c, 0, pl.ds(jj * 16, 16)]
                bb = rows_v[p, c, 1, pl.ds(jj * 16, 16)]
                interp_v[c, pl.ds(jj * 16, 16)] = a + (bb - a) * wyv

        @pl.when(j > 0)
        def _():
            bp, rp, _, _ = task_idx(j - 1)
            pltpu.make_async_copy(
                out_v.at[:, pl.ds(0, _OW)], out_hbm.at[bp, :, rp, :], sem_out
            ).wait()

        @plsc.parallel_loop(0, _OW, 1, unroll=2)
        def pix_body(ow):
            xn = ow * (_W - 1)
            x0 = xn // (_OW - 1)
            wx = (xn - x0 * (_OW - 1)).astype(jnp.float32) * _INV
            x1 = jnp.minimum(x0 + 1, _W - 1)
            wxv = jnp.full((16,), wx, jnp.float32)
            x0v = jnp.full((16,), x0, jnp.int32)
            x1v = jnp.full((16,), x1, jnp.int32)
            vals = []
            for g in range(6):
                cvec = lane + (16 * g)
                a0 = plsc.load_gather(interp_v, [cvec, x0v])
                a1 = plsc.load_gather(interp_v, [cvec, x1v])
                vals.append(a0 + (a1 - a0) * wxv)
            o = _top48(vals)
            owv = jnp.full((16,), ow, jnp.int32)
            for k3 in range(3):
                plsc.store_scatter(out_v, [lane + 16 * k3, owv], o[k3])

        pltpu.async_copy(
            out_v.at[:, pl.ds(0, _OW)], out_hbm.at[b, :, r, :], sem_out
        )
        return carry

    lax.fori_loop(0, _TPW, task_body, 0)
    bl, rl, _, _ = task_idx(_TPW - 1)
    pltpu.make_async_copy(
        out_v.at[:, pl.ds(0, _OW)], out_hbm.at[bl, :, rl, :], sem_out
    ).wait()


@functools.partial(
    pl.kernel,
    out_type=jax.ShapeDtypeStruct((_B, _K, _OH, _OW), jnp.float32),
    mesh=plsc.VectorSubcoreMesh(core_axis_name="c", subcore_axis_name="s"),
    scratch_types=[
        pltpu.VMEM((2, _C, 2, _W), jnp.float32),
        pltpu.VMEM((_C, _W + 1), jnp.float32),
        pltpu.VMEM((_K, _OW + 1), jnp.float32),
        pltpu.SemaphoreType.DMA,
        pltpu.SemaphoreType.DMA,
    ],
    compiler_params=pltpu.CompilerParams(
        use_tc_tiling_on_sc=False, needs_layout_passes=False, skip_device_barrier=True
    ),
)
def _run(x_hbm, out_hbm, rows_v, interp_v, out_v, sem_in, sem_out):
    _body(x_hbm, out_hbm, rows_v, interp_v, out_v, sem_in, sem_out)


def kernel(x):
    return _run(x)

# --- scband reference (transcript-rebuilt; emitter-appended) ---
"""Pipeline reference for scband-upsample-5257039970965 (READ-ONLY COPY).

The authoritative reference and input builder live on the scoring server;
editing this copy changes nothing except your own understanding.
"""

import jax, jax.numpy as jnp
import numpy as np

IN_CHANNELS = 96
OUT_CHANNELS = 48


def _upsample_bilinear_ac(x):
    # torch nn.Upsample(scale_factor=2, mode='bilinear', align_corners=True)
    B, C, H, W = x.shape
    oh, ow = 2 * H, 2 * W
    ys = jnp.arange(oh, dtype=jnp.float32) * (H - 1) / (oh - 1)
    xs = jnp.arange(ow, dtype=jnp.float32) * (W - 1) / (ow - 1)
    y0 = jnp.floor(ys).astype(jnp.int32)
    y1 = jnp.minimum(y0 + 1, H - 1)
    wy = ys - y0.astype(jnp.float32)
    x0 = jnp.floor(xs).astype(jnp.int32)
    x1 = jnp.minimum(x0 + 1, W - 1)
    wx = xs - x0.astype(jnp.float32)
    rows = (jnp.take(x, y0, axis=2) * (1.0 - wy)[None, None, :, None]
            + jnp.take(x, y1, axis=2) * wy[None, None, :, None])
    out = (jnp.take(rows, x0, axis=3) * (1.0 - wx)[None, None, None, :]
           + jnp.take(rows, x1, axis=3) * wx[None, None, None, :])
    return out


def setup_inputs(seed: int = 0) -> dict:
    key = jax.random.key(seed)
    x = jax.random.normal(key, (4, IN_CHANNELS, 224, 224), dtype=jnp.float32)
    return {"x": x}


def reference(x):
    up = _upsample_bilinear_ac(x)
    # torch.topk(up, k=OUT_CHANNELS, dim=1).values
    t = jnp.moveaxis(up, 1, -1)  # (B, H, W, C)
    vals, _ = jax.lax.top_k(t, OUT_CHANNELS)
    return jnp.moveaxis(vals, -1, 1)  # (B, k, H, W)

if __name__ == "__main__":
    import jax
    _d = setup_inputs()
    print(jax.jit(kernel)(*tuple(_d.values())))

</pallas_src>

<mosaic_0001>
#map = affine_map<(d0, d1) -> (0, 0, 0, 0)>
module attributes {stable_mosaic.version = 14 : i64} {
  func.func @_run(%arg0: i32, %arg1: i32, %arg2: memref<4x96x224x224xf32, #tpu.memory_space<hbm>>, %arg3: memref<4x48x448x448xf32, #tpu.memory_space<hbm>>, %arg4: memref<2x96x2x224xf32, #tpu.memory_space<vmem>>, %arg5: memref<96x225xf32, #tpu.memory_space<vmem>>, %arg6: memref<48x449xf32, #tpu.memory_space<vmem>>, %arg7: memref<!tpu.dma_semaphore, #tpu.memory_space<semaphore_mem>>, %arg8: memref<!tpu.dma_semaphore, #tpu.memory_space<semaphore_mem>>) attributes {dimension_semantics = [#tpu.dimension_semantics<core_parallel>, #tpu.dimension_semantics<subcore_parallel>], iteration_bounds = array<i64: 2, 16>, scalar_prefetch = 0 : i64, scratch_operands = 5 : i64, tpu.core_type = #tpu.core_type<sc_vector_subcore>, window_params = [{transform_indices = #map}, {transform_indices = #map}]} {
    %mul3A = arith.constant 2 : i32
    %mul3A_0 = arith.muli %arg1, %mul3A : i32
    %add3A = arith.addi %mul3A_0, %arg0 : i32
    %iota3A = tpu.iota {dimensions = array<i32: 0>} : vector<16xi32>
    %mul3A_1 = arith.constant 56 : i32
    %mul3A_2 = arith.muli %add3A, %mul3A_1 : i32
    %add3A_3 = arith.constant 0 : i32
    %add3A_4 = arith.addi %mul3A_2, %add3A_3 : i32
    %jit3A = arith.constant 448 : i32
    %div3A = arith.divsi %add3A_4, %jit3A : i32
    %sign3A = arith.constant 0 : i32
    %sign3A_5 = arith.cmpi sgt, %add3A_4, %sign3A : i32
    %sign3A_6 = arith.extui %sign3A_5 : i1 to i32
    %sign3A_7 = arith.constant 0 : i32
    %sign3A_8 = arith.cmpi slt, %add3A_4, %sign3A_7 : i32
    %sign3A_9 = arith.extui %sign3A_8 : i1 to i32
    %sign3A_10 = arith.subi %sign3A_6, %sign3A_9 : i32
    %sign3A_11 = arith.constant 0 : i32
    %sign3A_12 = arith.cmpi sgt, %jit3A, %sign3A_11 : i32
    %sign3A_13 = arith.extui %sign3A_12 : i1 to i32
    %sign3A_14 = arith.constant 0 : i32
    %sign3A_15 = arith.cmpi slt, %jit3A, %sign3A_14 : i32
    %sign3A_16 = arith.extui %sign3A_15 : i1 to i32
    %sign3A_17 = arith.subi %sign3A_13, %sign3A_16 : i32
    %ne3A = arith.cmpi ne, %sign3A_10, %sign3A_17 : i32
    %rem3A = arith.remsi %add3A_4, %jit3A : i32
    %ne3A_18 = arith.constant 0 : i32
    %ne3A_19 = arith.cmpi ne, %rem3A, %ne3A_18 : i32
    %and3A = arith.andi %ne3A, %ne3A_19 : i1
    %sub3A = arith.constant 1 : i32
    %sub3A_20 = arith.subi %div3A, %sub3A : i32
    %select_n3A = arith.select %and3A, %sub3A_20, %div3A : i32
    %mul3A_21 = arith.constant 448 : i32
    %mul3A_22 = arith.muli %select_n3A, %mul3A_21 : i32
    %sub3A_23 = arith.subi %add3A_4, %mul3A_22 : i32
    %mul3A_24 = arith.constant 223 : i32
    %mul3A_25 = arith.muli %sub3A_23, %mul3A_24 : i32
    %jit3A_26 = arith.constant 447 : i32
    %div3A_27 = arith.divsi %mul3A_25, %jit3A_26 : i32
    %sign3A_28 = arith.constant 0 : i32
    %sign3A_29 = arith.cmpi sgt, %mul3A_25, %sign3A_28 : i32
    %sign3A_30 = arith.extui %sign3A_29 : i1 to i32
    %sign3A_31 = arith.constant 0 : i32
    %sign3A_32 = arith.cmpi slt, %mul3A_25, %sign3A_31 : i32
    %sign3A_33 = arith.extui %sign3A_32 : i1 to i32
    %sign3A_34 = arith.subi %sign3A_30, %sign3A_33 : i32
    %sign3A_35 = arith.constant 0 : i32
    %sign3A_36 = arith.cmpi sgt, %jit3A_26, %sign3A_35 : i32
    %sign3A_37 = arith.extui %sign3A_36 : i1 to i32
    %sign3A_38 = arith.constant 0 : i32
    %sign3A_39 = arith.cmpi slt, %jit3A_26, %sign3A_38 : i32
    %sign3A_40 = arith.extui %sign3A_39 : i1 to i32
    %sign3A_41 = arith.subi %sign3A_37, %sign3A_40 : i32
    %ne3A_42 = arith.cmpi ne, %sign3A_34, %sign3A_41 : i32
    %rem3A_43 = arith.remsi %mul3A_25, %jit3A_26 : i32
    %ne3A_44 = arith.constant 0 : i32
    %ne3A_45 = arith.cmpi ne, %rem3A_43, %ne3A_44 : i32
    %and3A_46 = arith.andi %ne3A_42, %ne3A_45 : i1
    %sub3A_47 = arith.constant 1 : i32
    %sub3A_48 = arith.subi %div3A_27, %sub3A_47 : i32
    %select_n3A_49 = arith.select %and3A_46, %sub3A_48, %div3A_27 : i32
    %mul3A_50 = arith.constant 447 : i32
    %mul3A_51 = arith.muli %select_n3A_49, %mul3A_50 : i32
    %sub3A_52 = arith.subi %mul3A_25, %mul3A_51 : i32
    %convert_element_type3A = arith.sitofp %sub3A_52 : i32 to f32
    %mul3A_53 = arith.constant 0.00223713648 : f32
    %mul3A_54 = arith.mulf %convert_element_type3A, %mul3A_53 : f32
    %min3A = arith.constant 222 : i32
    %min3A_55 = arith.minsi %select_n3A_49, %min3A : i32
    %sub3A_56 = arith.subi %select_n3A_49, %min3A_55 : i32
    %convert_element_type3A_57 = arith.sitofp %sub3A_56 : i32 to f32
    %add3A_58 = arith.addf %mul3A_54, %convert_element_type3A_57 : f32
    %dma_start3A = arith.constant 0 : i32
    %dma_start3A_59 = arith.constant 0 : i32
    %dma_start3A_60 = arith.constant 0 : i32
    %dma_start3A_61 = arith.constant 0 : i32
    %dma_start3A_62 = tpu.memref_slice %arg4[%dma_start3A, %dma_start3A_59, %dma_start3A_60, %dma_start3A_61] : memref<2x96x2x224xf32, #tpu.memory_space<vmem>> -> memref<1x96x2x224xf32, #tpu.memory_space<vmem>>
    %dma_start3A_63 = tpu.memref_squeeze %dma_start3A_62 : memref<1x96x2x224xf32, #tpu.memory_space<vmem>> -> memref<96x2x224xf32, #tpu.memory_space<vmem>>
    %dma_start3A_64 = arith.constant 0 : i32
    %dma_start3A_65 = arith.constant 0 : i32
    %dma_start3A_66 = tpu.memref_slice %arg2[%select_n3A, %dma_start3A_64, %min3A_55, %dma_start3A_65] : memref<4x96x224x224xf32, #tpu.memory_space<hbm>> -> memref<1x96x2x224xf32, #tpu.memory_space<hbm>>
    %dma_start3A_67 = tpu.memref_squeeze %dma_start3A_66 : memref<1x96x2x224xf32, #tpu.memory_space<hbm>> -> memref<96x2x224xf32, #tpu.memory_space<hbm>>
    %dma_start3A_68 = arith.constant 0 : i32
    %dma_start3A_69 = arith.constant 0 : i32
    %dma_start3A_70 = arith.constant 0 : i32
    %dma_start3A_71 = tpu.memref_slice %arg4[%dma_start3A, %dma_start3A_68, %dma_start3A_69, %dma_start3A_70] : memref<2x96x2x224xf32, #tpu.memory_space<vmem>> -> memref<1x96x2x224xf32, #tpu.memory_space<vmem>>
    %dma_start3A_72 = tpu.memref_squeeze %dma_start3A_71 : memref<1x96x2x224xf32, #tpu.memory_space<vmem>> -> memref<96x2x224xf32, #tpu.memory_space<vmem>>
    %dma_start3A_73 = arith.constant 0 : i32
    %dma_start3A_74 = arith.constant 0 : i32
    %dma_start3A_75 = tpu.memref_slice %arg2[%select_n3A, %dma_start3A_73, %min3A_55, %dma_start3A_74] : memref<4x96x224x224xf32, #tpu.memory_space<hbm>> -> memref<1x96x2x224xf32, #tpu.memory_space<hbm>>
    %dma_start3A_76 = tpu.memref_squeeze %dma_start3A_75 : memref<1x96x2x224xf32, #tpu.memory_space<hbm>> -> memref<96x2x224xf32, #tpu.memory_space<hbm>>
    tpu.enqueue_dma source(%dma_start3A_76 : memref<96x2x224xf32, #tpu.memory_space<hbm>>) target(%dma_start3A_72 : memref<96x2x224xf32, #tpu.memory_space<vmem>>) target_semaphore(%arg7 : memref<!tpu.dma_semaphore, #tpu.memory_space<semaphore_mem>>)
    %scan3A = arith.constant 0 : i32
    %scan3A_77 = arith.constant 0 : i32
    %scan3A_78 = arith.constant 56 : i32
    %scan3A_79 = arith.addi %scan3A_77, %scan3A_78 : i32
    %scan3A_80 = arith.constant 1 : i32
    scf.for %scan3A_163 = %scan3A_77 to %scan3A_79 step %scan3A_80  : i32 {
      %and3A_164 = arith.constant 1 : i32
      %and3A_165 = arith.andi %scan3A_163, %and3A_164 : i32
      %mul3A_166 = arith.constant 56 : i32
      %mul3A_167 = arith.muli %add3A, %mul3A_166 : i32
      %add3A_168 = arith.addi %mul3A_167, %scan3A_163 : i32
      %jit3A_169 = arith.constant 448 : i32
      %div3A_170 = arith.divsi %add3A_168, %jit3A_169 : i32
      %sign3A_171 = arith.constant 0 : i32
      %sign3A_172 = arith.cmpi sgt, %add3A_168, %sign3A_171 : i32
      %sign3A_173 = arith.extui %sign3A_172 : i1 to i32
      %sign3A_174 = arith.constant 0 : i32
      %sign3A_175 = arith.cmpi slt, %add3A_168, %sign3A_174 : i32
      %sign3A_176 = arith.extui %sign3A_175 : i1 to i32
      %sign3A_177 = arith.subi %sign3A_173, %sign3A_176 : i32
      %sign3A_178 = arith.constant 0 : i32
      %sign3A_179 = arith.cmpi sgt, %jit3A_169, %sign3A_178 : i32
      %sign3A_180 = arith.extui %sign3A_179 : i1 to i32
      %sign3A_181 = arith.constant 0 : i32
      %sign3A_182 = arith.cmpi slt, %jit3A_169, %sign3A_181 : i32
      %sign3A_183 = arith.extui %sign3A_182 : i1 to i32
      %sign3A_184 = arith.subi %sign3A_180, %sign3A_183 : i32
      %ne3A_185 = arith.cmpi ne, %sign3A_177, %sign3A_184 : i32
      %rem3A_186 = arith.remsi %add3A_168, %jit3A_169 : i32
      %ne3A_187 = arith.constant 0 : i32
      %ne3A_188 = arith.cmpi ne, %rem3A_186, %ne3A_187 : i32
      %and3A_189 = arith.andi %ne3A_185, %ne3A_188 : i1
      %sub3A_190 = arith.constant 1 : i32
      %sub3A_191 = arith.subi %div3A_170, %sub3A_190 : i32
      %select_n3A_192 = arith.select %and3A_189, %sub3A_191, %div3A_170 : i32
      %mul3A_193 = arith.constant 448 : i32
      %mul3A_194 = arith.muli %select_n3A_192, %mul3A_193 : i32
      %sub3A_195 = arith.subi %add3A_168, %mul3A_194 : i32
      %mul3A_196 = arith.constant 223 : i32
      %mul3A_197 = arith.muli %sub3A_195, %mul3A_196 : i32
      %jit3A_198 = arith.constant 447 : i32
      %div3A_199 = arith.divsi %mul3A_197, %jit3A_198 : i32
      %sign3A_200 = arith.constant 0 : i32
      %sign3A_201 = arith.cmpi sgt, %mul3A_197, %sign3A_200 : i32
      %sign3A_202 = arith.extui %sign3A_201 : i1 to i32
      %sign3A_203 = arith.constant 0 : i32
      %sign3A_204 = arith.cmpi slt, %mul3A_197, %sign3A_203 : i32
      %sign3A_205 = arith.extui %sign3A_204 : i1 to i32
      %sign3A_206 = arith.subi %sign3A_202, %sign3A_205 : i32
      %sign3A_207 = arith.constant 0 : i32
      %sign3A_208 = arith.cmpi sgt, %jit3A_198, %sign3A_207 : i32
      %sign3A_209 = arith.extui %sign3A_208 : i1 to i32
      %sign3A_210 = arith.constant 0 : i32
      %sign3A_211 = arith.cmpi slt, %jit3A_198, %sign3A_210 : i32
      %sign3A_212 = arith.extui %sign3A_211 : i1 to i32
      %sign3A_213 = arith.subi %sign3A_209, %sign3A_212 : i32
      %ne3A_214 = arith.cmpi ne, %sign3A_206, %sign3A_213 : i32
      %rem3A_215 = arith.remsi %mul3A_197, %jit3A_198 : i32
      %ne3A_216 = arith.constant 0 : i32
      %ne3A_217 = arith.cmpi ne, %rem3A_215, %ne3A_216 : i32
      %and3A_218 = arith.andi %ne3A_214, %ne3A_217 : i1
      %sub3A_219 = arith.constant 1 : i32
      %sub3A_220 = arith.subi %div3A_199, %sub3A_219 : i32
      %select_n3A_221 = arith.select %and3A_218, %sub3A_220, %div3A_199 : i32
      %mul3A_222 = arith.constant 447 : i32
      %mul3A_223 = arith.muli %select_n3A_221, %mul3A_222 : i32
      %sub3A_224 = arith.subi %mul3A_197, %mul3A_223 : i32
      %convert_element_type3A_225 = arith.sitofp %sub3A_224 : i32 to f32
      %mul3A_226 = arith.constant 0.00223713648 : f32
      %mul3A_227 = arith.mulf %convert_element_type3A_225, %mul3A_226 : f32
      %min3A_228 = arith.constant 222 : i32
      %min3A_229 = arith.minsi %select_n3A_221, %min3A_228 : i32
      %sub3A_230 = arith.subi %select_n3A_221, %min3A_229 : i32
      %convert_element_type3A_231 = arith.sitofp %sub3A_230 : i32 to f32
      %add3A_232 = arith.addf %mul3A_227, %convert_element_type3A_231 : f32
      %dma_wait3A_233 = arith.constant 0 : i32
      %dma_wait3A_234 = arith.constant 0 : i32
      %dma_wait3A_235 = arith.constant 0 : i32
      %dma_wait3A_236 = tpu.memref_slice %arg4[%and3A_165, %dma_wait3A_233, %dma_wait3A_234, %dma_wait3A_235] : memref<2x96x2x224xf32, #tpu.memory_space<vmem>> -> memref<1x96x2x224xf32, #tpu.memory_space<vmem>>
      %dma_wait3A_237 = tpu.memref_squeeze %dma_wait3A_236 : memref<1x96x2x224xf32, #tpu.memory_space<vmem>> -> memref<96x2x224xf32, #tpu.memory_space<vmem>>
      %dma_wait3A_238 = arith.constant 0 : i32
      %dma_wait3A_239 = arith.constant 0 : i32
      %dma_wait3A_240 = tpu.memref_slice %arg2[%select_n3A_192, %dma_wait3A_238, %min3A_229, %dma_wait3A_239] : memref<4x96x224x224xf32, #tpu.memory_space<hbm>> -> memref<1x96x2x224xf32, #tpu.memory_space<hbm>>
      %dma_wait3A_241 = tpu.memref_squeeze %dma_wait3A_240 : memref<1x96x2x224xf32, #tpu.memory_space<hbm>> -> memref<96x2x224xf32, #tpu.memory_space<hbm>>
      %dma_wait3A_242 = arith.constant 0 : i32
      %dma_wait3A_243 = arith.constant 0 : i32
      %dma_wait3A_244 = arith.constant 0 : i32
      %dma_wait3A_245 = tpu.memref_slice %arg4[%and3A_165, %dma_wait3A_242, %dma_wait3A_243, %dma_wait3A_244] : memref<2x96x2x224xf32, #tpu.memory_space<vmem>> -> memref<1x96x2x224xf32, #tpu.memory_space<vmem>>
      %dma_wait3A_246 = tpu.memref_squeeze %dma_wait3A_245 : memref<1x96x2x224xf32, #tpu.memory_space<vmem>> -> memref<96x2x224xf32, #tpu.memory_space<vmem>>
      %dma_wait3A_247 = arith.constant 0 : i32
      %dma_wait3A_248 = arith.constant 0 : i32
      %dma_wait3A_249 = tpu.memref_slice %arg2[%select_n3A_192, %dma_wait3A_247, %min3A_229, %dma_wait3A_248] : memref<4x96x224x224xf32, #tpu.memory_space<hbm>> -> memref<1x96x2x224xf32, #tpu.memory_space<hbm>>
      %dma_wait3A_250 = tpu.memref_squeeze %dma_wait3A_249 : memref<1x96x2x224xf32, #tpu.memory_space<hbm>> -> memref<96x2x224xf32, #tpu.memory_space<hbm>>
      tpu.wait_dma2 semaphore(%arg7 : memref<!tpu.dma_semaphore, #tpu.memory_space<semaphore_mem>>) src(%dma_wait3A_250 : memref<96x2x224xf32, #tpu.memory_space<hbm>>) dst(%dma_wait3A_246 : memref<96x2x224xf32, #tpu.memory_space<vmem>>)
      %add3A_251 = arith.constant 1 : i32
      %add3A_252 = arith.addi %scan3A_163, %add3A_251 : i32
      %lt3A = arith.constant 56 : i32
      %lt3A_253 = arith.cmpi slt, %add3A_252, %lt3A : i32
      %convert_element_type3A_254 = arith.extui %lt3A_253 : i1 to i32
      %cond3A = arith.constant 0 : i32
      %cond3A_255 = arith.cmpi ne, %convert_element_type3A_254, %cond3A : i32
      scf.if %cond3A_255 {
        %add3A_279 = arith.constant 1 : i32
        %add3A_280 = arith.addi %scan3A_163, %add3A_279 : i32
        %mul3A_281 = arith.constant 56 : i32
        %mul3A_282 = arith.muli %add3A, %mul3A_281 : i32
        %add3A_283 = arith.addi %mul3A_282, %add3A_280 : i32
        %jit3A_284 = arith.constant 448 : i32
        %div3A_285 = arith.divsi %add3A_283, %jit3A_284 : i32
        %sign3A_286 = arith.constant 0 : i32
        %sign3A_287 = arith.cmpi sgt, %add3A_283, %sign3A_286 : i32
        %sign3A_288 = arith.extui %sign3A_287 : i1 to i32
        %sign3A_289 = arith.constant 0 : i32
        %sign3A_290 = arith.cmpi slt, %add3A_283, %sign3A_289 : i32
        %sign3A_291 = arith.extui %sign3A_290 : i1 to i32
        %sign3A_292 = arith.subi %sign3A_288, %sign3A_291 : i32
        %sign3A_293 = arith.constant 0 : i32
        %sign3A_294 = arith.cmpi sgt, %jit3A_284, %sign3A_293 : i32
        %sign3A_295 = arith.extui %sign3A_294 : i1 to i32
        %sign3A_296 = arith.constant 0 : i32
        %sign3A_297 = arith.cmpi slt, %jit3A_284, %sign3A_296 : i32
        %sign3A_298 = arith.extui %sign3A_297 : i1 to i32
        %sign3A_299 = arith.subi %sign3A_295, %sign3A_298 : i32
        %ne3A_300 = arith.cmpi ne, %sign3A_292, %sign3A_299 : i32
        %rem3A_301 = arith.remsi %add3A_283, %jit3A_284 : i32
        %ne3A_302 = arith.constant 0 : i32
        %ne3A_303 = arith.cmpi ne, %rem3A_301, %ne3A_302 : i32
        %and3A_304 = arith.andi %ne3A_300, %ne3A_303 : i1
        %sub3A_305 = arith.constant 1 : i32
        %sub3A_306 = arith.subi %div3A_285, %sub3A_305 : i32
        %select_n3A_307 = arith.select %and3A_304, %sub3A_306, %div3A_285 : i32
        %mul3A_308 = arith.constant 448 : i32
        %mul3A_309 = arith.muli %select_n3A_307, %mul3A_308 : i32
        %sub3A_310 = arith.subi %add3A_283, %mul3A_309 : i32
        %mul3A_311 = arith.constant 223 : i32
        %mul3A_312 = arith.muli %sub3A_310, %mul3A_311 : i32
        %jit3A_313 = arith.constant 447 : i32
        %div3A_314 = arith.divsi %mul3A_312, %jit3A_313 : i32
        %sign3A_315 = arith.constant 0 : i32
        %sign3A_316 = arith.cmpi sgt, %mul3A_312, %sign3A_315 : i32
        %sign3A_317 = arith.extui %sign3A_316 : i1 to i32
        %sign3A_318 = arith.constant 0 : i32
        %sign3A_319 = arith.cmpi slt, %mul3A_312, %sign3A_318 : i32
        %sign3A_320 = arith.extui %sign3A_319 : i1 to i32
        %sign3A_321 = arith.subi %sign3A_317, %sign3A_320 : i32
        %sign3A_322 = arith.constant 0 : i32
        %sign3A_323 = arith.cmpi sgt, %jit3A_313, %sign3A_322 : i32
        %sign3A_324 = arith.extui %sign3A_323 : i1 to i32
        %sign3A_325 = arith.constant 0 : i32
        %sign3A_326 = arith.cmpi slt, %jit3A_313, %sign3A_325 : i32
        %sign3A_327 = arith.extui %sign3A_326 : i1 to i32
        %sign3A_328 = arith.subi %sign3A_324, %sign3A_327 : i32
        %ne3A_329 = arith.cmpi ne, %sign3A_321, %sign3A_328 : i32
        %rem3A_330 = arith.remsi %mul3A_312, %jit3A_313 : i32
        %ne3A_331 = arith.constant 0 : i32
        %ne3A_332 = arith.cmpi ne, %rem3A_330, %ne3A_331 : i32
        %and3A_333 = arith.andi %ne3A_329, %ne3A_332 : i1
        %sub3A_334 = arith.constant 1 : i32
        %sub3A_335 = arith.subi %div3A_314, %sub3A_334 : i32
        %select_n3A_336 = arith.select %and3A_333, %sub3A_335, %div3A_314 : i32
        %mul3A_337 = arith.constant 447 : i32
        %mul3A_338 = arith.muli %select_n3A_336, %mul3A_337 : i32
        %sub3A_339 = arith.subi %mul3A_312, %mul3A_338 : i32
        %convert_element_type3A_340 = arith.sitofp %sub3A_339 : i32 to f32
        %mul3A_341 = arith.constant 0.00223713648 : f32
        %mul3A_342 = arith.mulf %convert_element_type3A_340, %mul3A_341 : f32
        %min3A_343 = arith.constant 222 : i32
        %min3A_344 = arith.minsi %select_n3A_336, %min3A_343 : i32
        %sub3A_345 = arith.subi %select_n3A_336, %min3A_344 : i32
        %convert_element_type3A_346 = arith.sitofp %sub3A_345 : i32 to f32
        %add3A_347 = arith.addf %mul3A_342, %convert_element_type3A_346 : f32
        %sub3A_348 = arith.constant 1 : i32
        %sub3A_349 = arith.subi %sub3A_348, %and3A_165 : i32
        %dma_start3A_350 = arith.constant 0 : i32
        %dma_start3A_351 = arith.constant 0 : i32
        %dma_start3A_352 = arith.constant 0 : i32
        %dma_start3A_353 = tpu.memref_slice %arg4[%sub3A_349, %dma_start3A_350, %dma_start3A_351, %dma_start3A_352] : memref<2x96x2x224xf32, #tpu.memory_space<vmem>> -> memref<1x96x2x224xf32, #tpu.memory_space<vmem>>
        %dma_start3A_354 = tpu.memref_squeeze %dma_start3A_353 : memref<1x96x2x224xf32, #tpu.memory_space<vmem>> -> memref<96x2x224xf32, #tpu.memory_space<vmem>>
        %dma_start3A_355 = arith.constant 0 : i32
        %dma_start3A_356 = arith.constant 0 : i32
        %dma_start3A_357 = tpu.memref_slice %arg2[%select_n3A_307, %dma_start3A_355, %min3A_344, %dma_start3A_356] : memref<4x96x224x224xf32, #tpu.memory_space<hbm>> -> memref<1x96x2x224xf32, #tpu.memory_space<hbm>>
        %dma_start3A_358 = tpu.memref_squeeze %dma_start3A_357 : memref<1x96x2x224xf32, #tpu.memory_space<hbm>> -> memref<96x2x224xf32, #tpu.memory_space<hbm>>
        %dma_start3A_359 = arith.constant 0 : i32
        %dma_start3A_360 = arith.constant 0 : i32
        %dma_start3A_361 = arith.constant 0 : i32
        %dma_start3A_362 = tpu.memref_slice %arg4[%sub3A_349, %dma_start3A_359, %dma_start3A_360, %dma_start3A_361] : memref<2x96x2x224xf32, #tpu.memory_space<vmem>> -> memref<1x96x2x224xf32, #tpu.memory_space<vmem>>
        %dma_start3A_363 = tpu.memref_squeeze %dma_start3A_362 : memref<1x96x2x224xf32, #tpu.memory_space<vmem>> -> memref<96x2x224xf32, #tpu.memory_space<vmem>>
        %dma_start3A_364 = arith.constant 0 : i32
        %dma_start3A_365 = arith.constant 0 : i32
        %dma_start3A_366 = tpu.memref_slice %arg2[%select_n3A_307, %dma_start3A_364, %min3A_344, %dma_start3A_365] : memref<4x96x224x224xf32, #tpu.memory_space<hbm>> -> memref<1x96x2x224xf32, #tpu.memory_space<hbm>>
        %dma_start3A_367 = tpu.memref_squeeze %dma_start3A_366 : memref<1x96x2x224xf32, #tpu.memory_space<hbm>> -> memref<96x2x224xf32, #tpu.memory_space<hbm>>
        tpu.enqueue_dma source(%dma_start3A_367 : memref<96x2x224xf32, #tpu.memory_space<hbm>>) target(%dma_start3A_363 : memref<96x2x224xf32, #tpu.memory_space<vmem>>) target_semaphore(%arg7 : memref<!tpu.dma_semaphore, #tpu.memory_space<semaphore_mem>>)
      } else {
      }
      %broadcast_in_dim3A = vector.broadcast %add3A_232 : f32 to vector<16xf32>
      %parallel_loop3A = arith.constant 0 : i32
      %parallel_loop3A_256 = arith.constant 96 : i32
      %parallel_loop3A_257 = arith.constant 1 : i32
      scf.for %parallel_loop3A_279 = %parallel_loop3A to %parallel_loop3A_256 step %parallel_loop3A_257  : i32 {
        %parallel_loop3A_280 = arith.constant 0 : i32
        %parallel_loop3A_281 = arith.index_cast %and3A_165 : i32 to index
        %parallel_loop3A_282 = arith.index_cast %parallel_loop3A_279 : i32 to index
        %parallel_loop3A_283 = arith.index_cast %parallel_loop3A_280 : i32 to index
        %parallel_loop3A_284 = arith.constant 0 : index
        %parallel_loop3A_285 = tpu.vector_load %arg4[%parallel_loop3A_281, %parallel_loop3A_282, %parallel_loop3A_283, %parallel_loop3A_284] {strides = array<i32>} : memref<2x96x2x224xf32, #tpu.memory_space<vmem>>, vector<16xf32>,
        %parallel_loop3A_286 = arith.constant 1 : i32
        %parallel_loop3A_287 = arith.index_cast %and3A_165 : i32 to index
        %parallel_loop3A_288 = arith.index_cast %parallel_loop3A_279 : i32 to index
        %parallel_loop3A_289 = arith.index_cast %parallel_loop3A_286 : i32 to index
        %parallel_loop3A_290 = arith.constant 0 : index
        %parallel_loop3A_291 = tpu.vector_load %arg4[%parallel_loop3A_287, %parallel_loop3A_288, %parallel_loop3A_289, %parallel_loop3A_290] {strides = array<i32>} : memref<2x96x2x224xf32, #tpu.memory_space<vmem>>, vector<16xf32>,
        %parallel_loop3A_292 = arith.subf %parallel_loop3A_291, %parallel_loop3A_285 : vector<16xf32>
        %parallel_loop3A_293 = arith.mulf %parallel_loop3A_292, %broadcast_in_dim3A : vector<16xf32>
        %parallel_loop3A_294 = arith.addf %parallel_loop3A_285, %parallel_loop3A_293 : vector<16xf32>
        %parallel_loop3A_295 = arith.index_cast %parallel_loop3A_279 : i32 to index
        %parallel_loop3A_296 = arith.constant 0 : index
        %parallel_loop3A_297 = tpu.vector_load %arg5[%parallel_loop3A_295, %parallel_loop3A_296] {strides = array<i32>} : memref<96x225xf32, #tpu.memory_space<vmem>>, vector<16xf32>,
        tpu.vector_store %arg5[%parallel_loop3A_295, %parallel_loop3A_296], %parallel_loop3A_294 {strides = array<i32>} : memref<96x225xf32, #tpu.memory_space<vmem>>, vector<16xf32>,
        %parallel_loop3A_298 = arith.constant 0 : i32
        %parallel_loop3A_299 = arith.index_cast %and3A_165 : i32 to index
        %parallel_loop3A_300 = arith.index_cast %parallel_loop3A_279 : i32 to index
        %parallel_loop3A_301 = arith.index_cast %parallel_loop3A_298 : i32 to index
        %parallel_loop3A_302 = arith.constant 16 : index
        %parallel_loop3A_303 = tpu.vector_load %arg4[%parallel_loop3A_299, %parallel_loop3A_300, %parallel_loop3A_301, %parallel_loop3A_302] {strides = array<i32>} : memref<2x96x2x224xf32, #tpu.memory_space<vmem>>, vector<16xf32>,
        %parallel_loop3A_304 = arith.constant 1 : i32
        %parallel_loop3A_305 = arith.index_cast %and3A_165 : i32 to index
        %parallel_loop3A_306 = arith.index_cast %parallel_loop3A_279 : i32 to index
        %parallel_loop3A_307 = arith.index_cast %parallel_loop3A_304 : i32 to index
        %parallel_loop3A_308 = arith.constant 16 : index
        %parallel_loop3A_309 = tpu.vector_load %arg4[%parallel_loop3A_305, %parallel_loop3A_306, %parallel_loop3A_307, %parallel_loop3A_308] {strides = array<i32>} : memref<2x96x2x224xf32, #tpu.memory_space<vmem>>, vector<16xf32>,
        %parallel_loop3A_310 = arith.subf %parallel_loop3A_309, %parallel_loop3A_303 : vector<16xf32>
        %parallel_loop3A_311 = arith.mulf %parallel_loop3A_310, %broadcast_in_dim3A : vector<16xf32>
        %parallel_loop3A_312 = arith.addf %parallel_loop3A_303, %parallel_loop3A_311 : vector<16xf32>
        %parallel_loop3A_313 = arith.index_cast %parallel_loop3A_279 : i32 to index
        %parallel_loop3A_314 = arith.constant 16 : index
        %parallel_loop3A_315 = tpu.vector_load %arg5[%parallel_loop3A_313, %parallel_loop3A_314] {strides = array<i32>} : memref<96x225xf32, #tpu.memory_space<vmem>>, vector<16xf32>,
        tpu.vector_store %arg5[%parallel_loop3A_313, %parallel_loop3A_314], %parallel_loop3A_312 {strides = array<i32>} : memref<96x225xf32, #tpu.memory_space<vmem>>, vector<16xf32>,
        %parallel_loop3A_316 = arith.constant 0 : i32
        %parallel_loop3A_317 = arith.index_cast %and3A_165 : i32 to index
        %parallel_loop3A_318 = arith.index_cast %parallel_loop3A_279 : i32 to index
        %parallel_loop3A_319 = arith.index_cast %parallel_loop3A_316 : i32 to index
        %parallel_loop3A_320 = arith.constant 32 : index
        %parallel_loop3A_321 = tpu.vector_load %arg4[%parallel_loop3A_317, %parallel_loop3A_318, %parallel_loop3A_319, %parallel_loop3A_320] {strides = array<i32>} : memref<2x96x2x224xf32, #tpu.memory_space<vmem>>, vector<16xf32>,
        %parallel_loop3A_322 = arith.constant 1 : i32
        %parallel_loop3A_323 = arith.index_cast %and3A_165 : i32 to index
        %parallel_loop3A_324 = arith.index_cast %parallel_loop3A_279 : i32 to index
        %parallel_loop3A_325 = arith.index_cast %parallel_loop3A_322 : i32 to index
        %parallel_loop3A_326 = arith.constant 32 : index
        %parallel_loop3A_327 = tpu.vector_load %arg4[%parallel_loop3A_323, %parallel_loop3A_324, %parallel_loop3A_325, %parallel_loop3A_326] {strides = array<i32>} : memref<2x96x2x224xf32, #tpu.memory_space<vmem>>, vector<16xf32>,
        %parallel_loop3A_328 = arith.subf %parallel_loop3A_327, %parallel_loop3A_321 : vector<16xf32>
        %parallel_loop3A_329 = arith.mulf %parallel_loop3A_328, %broadcast_in_dim3A : vector<16xf32>
        %parallel_loop3A_330 = arith.addf %parallel_loop3A_321, %parallel_loop3A_329 : vector<16xf32>
        %parallel_loop3A_331 = arith.index_cast %parallel_loop3A_279 : i32 to index
        %parallel_loop3A_332 = arith.constant 32 : index
        %parallel_loop3A_333 = tpu.vector_load %arg5[%parallel_loop3A_331, %parallel_loop3A_332] {strides = array<i32>} : memref<96x225xf32, #tpu.memory_space<vmem>>, vector<16xf32>,
        tpu.vector_store %arg5[%parallel_loop3A_331, %parallel_loop3A_332], %parallel_loop3A_330 {strides = array<i32>} : memref<96x225xf32, #tpu.memory_space<vmem>>, vector<16xf32>,
        %parallel_loop3A_334 = arith.constant 0 : i32
        %parallel_loop3A_335 = arith.index_cast %and3A_165 : i32 to index
        %parallel_loop3A_336 = arith.index_cast %parallel_loop3A_279 : i32 to index
        %parallel_loop3A_337 = arith.index_cast %parallel_loop3A_334 : i32 to index
        %parallel_loop3A_338 = arith.constant 48 : index
        %parallel_loop3A_339 = tpu.vector_load %arg4[%parallel_loop3A_335, %parallel_loop3A_336, %parallel_loop3A_337, %parallel_loop3A_338] {strides = array<i32>} : memref<2x96x2x224xf32, #tpu.memory_space<vmem>>, vector<16xf32>,
        %parallel_loop3A_340 = arith.constant 1 : i32
        %parallel_loop3A_341 = arith.index_cast %and3A_165 : i32 to index
        %parallel_loop3A_342 = arith.index_cast %parallel_loop3A_279 : i32 to index
        %parallel_loop3A_343 = arith.index_cast %parallel_loop3A_340 : i32 to index
        %parallel_loop3A_344 = arith.constant 48 : index
        %parallel_loop3A_345 = tpu.vector_load %arg4[%parallel_loop3A_341, %parallel_loop3A_342, %parallel_loop3A_343, %parallel_loop3A_344] {strides = array<i32>} : memref<2x96x2x224xf32, #tpu.memory_space<vmem>>, vector<16xf32>,
        %parallel_loop3A_346 = arith.subf %parallel_loop3A_345, %parallel_loop3A_339 : vector<16xf32>
        %parallel_loop3A_347 = arith.mulf %parallel_loop3A_346, %broadcast_in_dim3A : vector<16xf32>
        %parallel_loop3A_348 = arith.addf %parallel_loop3A_339, %parallel_loop3A_347 : vector<16xf32>
        %parallel_loop3A_349 = arith.index_cast %parallel_loop3A_279 : i32 to index
        %parallel_loop3A_350 = arith.constant 48 : index
        %parallel_loop3A_351 = tpu.vector_load %arg5[%parallel_loop3A_349, %parallel_loop3A_350] {strides = array<i32>} : memref<96x225xf32, #tpu.memory_space<vmem>>, vector<16xf32>,
        tpu.vector_store %arg5[%parallel_loop3A_349, %parallel_loop3A_350], %parallel_loop3A_348 {strides = array<i32>} : memref<96x225xf32, #tpu.memory_space<vmem>>, vector<16xf32>,
        %parallel_loop3A_352 = arith.constant 0 : i32
        %parallel_loop3A_353 = arith.index_cast %and3A_165 : i32 to index
        %parallel_loop3A_354 = arith.index_cast %parallel_loop3A_279 : i32 to index
        %parallel_loop3A_355 = arith.index_cast %parallel_loop3A_352 : i32 to index
        %parallel_loop3A_356 = arith.constant 64 : index
        %parallel_loop3A_357 = tpu.vector_load %arg4[%parallel_loop3A_353, %parallel_loop3A_354, %parallel_loop3A_355, %parallel_loop3A_356] {strides = array<i32>} : memref<2x96x2x224xf32, #tpu.memory_space<vmem>>, vector<16xf32>,
        %parallel_loop3A_358 = arith.constant 1 : i32
        %parallel_loop3A_359 = arith.index_cast %and3A_165 : i32 to index
        %parallel_loop3A_360 = arith.index_cast %parallel_loop3A_279 : i32 to index
        %parallel_loop3A_361 = arith.index_cast %parallel_loop3A_358 : i32 to index
        %parallel_loop3A_362 = arith.constant 64 : index
        %parallel_loop3A_363 = tpu.vector_load %arg4[%parallel_loop3A_359, %parallel_loop3A_360, %parallel_loop3A_361, %parallel_loop3A_362] {strides = array<i32>} : memref<2x96x2x224xf32, #tpu.memory_space<vmem>>, vector<16xf32>,
        %parallel_loop3A_364 = arith.subf %parallel_loop3A_363, %parallel_loop3A_357 : vector<16xf32>
        %parallel_loop3A_365 = arith.mulf %parallel_loop3A_364, %broadcast_in_dim3A : vector<16xf32>
        %parallel_loop3A_366 = arith.addf %parallel_loop3A_357, %parallel_loop3A_365 : vector<16xf32>
        %parallel_loop3A_367 = arith.index_cast %parallel_loop3A_279 : i32 to index
        %parallel_loop3A_368 = arith.constant 64 : index
        %parallel_loop3A_369 = tpu.vector_load %arg5[%parallel_loop3A_367, %parallel_loop3A_368] {strides = array<i32>} : memref<96x225xf32, #tpu.memory_space<vmem>>, vector<16xf32>,
        tpu.vector_store %arg5[%parallel_loop3A_367, %parallel_loop3A_368], %parallel_loop3A_366 {strides = array<i32>} : memref<96x225xf32, #tpu.memory_space<vmem>>, vector<16xf32>,
        %parallel_loop3A_370 = arith.constant 0 : i32
        %parallel_loop3A_371 = arith.index_cast %and3A_165 : i32 to index
        %parallel_loop3A_372 = arith.index_cast %parallel_loop3A_279 : i32 to index
        %parallel_loop3A_373 = arith.index_cast %parallel_loop3A_370 : i32 to index
        %parallel_loop3A_374 = arith.constant 80 : index
        %parallel_loop3A_375 = tpu.vector_load %arg4[%parallel_loop3A_371, %parallel_loop3A_372, %parallel_loop3A_373, %parallel_loop3A_374] {strides = array<i32>} : memref<2x96x2x224xf32, #tpu.memory_space<vmem>>, vector<16xf32>,
        %parallel_loop3A_376 = arith.constant 1 : i32
        %parallel_loop3A_377 = arith.index_cast %and3A_165 : i32 to index
        %parallel_loop3A_378 = arith.index_cast %parallel_loop3A_279 : i32 to index
        %parallel_loop3A_379 = arith.index_cast %parallel_loop3A_376 : i32 to index
        %parallel_loop3A_380 = arith.constant 80 : index
        %parallel_loop3A_381 = tpu.vector_load %arg4[%parallel_loop3A_377, %parallel_loop3A_378, %parallel_loop3A_379, %parallel_loop3A_380] {strides = array<i32>} : memref<2x96x2x224xf32, #tpu.memory_space<vmem>>, vector<16xf32>,
        %parallel_loop3A_382 = arith.subf %parallel_loop3A_381, %parallel_loop3A_375 : vector<16xf32>
        %parallel_loop3A_383 = arith.mulf %parallel_loop3A_382, %broadcast_in_dim3A : vector<16xf32>
        %parallel_loop3A_384 = arith.addf %parallel_loop3A_375, %parallel_loop3A_383 : vector<16xf32>
        %parallel_loop3A_385 = arith.index_cast %parallel_loop3A_279 : i32 to index
        %parallel_loop3A_386 = arith.constant 80 : index
        %parallel_loop3A_387 = tpu.vector_load %arg5[%parallel_loop3A_385, %parallel_loop3A_386] {strides = array<i32>} : memref<96x225xf32, #tpu.memory_space<vmem>>, vector<16xf32>,
        tpu.vector_store %arg5[%parallel_loop3A_385, %parallel_loop3A_386], %parallel_loop3A_384 {strides = array<i32>} : memref<96x225xf32, #tpu.memory_space<vmem>>, vector<16xf32>,
        %parallel_loop3A_388 = arith.constant 0 : i32
        %parallel_loop3A_389 = arith.index_cast %and3A_165 : i32 to index
        %parallel_loop3A_390 = arith.index_cast %parallel_loop3A_279 : i32 to index
        %parallel_loop3A_391 = arith.index_cast %parallel_loop3A_388 : i32 to index
        %parallel_loop3A_392 = arith.constant 96 : index
        %parallel_loop3A_393 = tpu.vector_load %arg4[%parallel_loop3A_389, %parallel_loop3A_390, %parallel_loop3A_391, %parallel_loop3A_392] {strides = array<i32>} : memref<2x96x2x224xf32, #tpu.memory_space<vmem>>, vector<16xf32>,
        %parallel_loop3A_394 = arith.constant 1 : i32
        %parallel_loop3A_395 = arith.index_cast %and3A_165 : i32 to index
        %parallel_loop3A_396 = arith.index_cast %parallel_loop3A_279 : i32 to index
        %parallel_loop3A_397 = arith.index_cast %parallel_loop3A_394 : i32 to index
        %parallel_loop3A_398 = arith.constant 96 : index
        %parallel_loop3A_399 = tpu.vector_load %arg4[%parallel_loop3A_395, %parallel_loop3A_396, %parallel_loop3A_397, %parallel_loop3A_398] {strides = array<i32>} : memref<2x96x2x224xf32, #tpu.memory_space<vmem>>, vector<16xf32>,
        %parallel_loop3A_400 = arith.subf %parallel_loop3A_399, %parallel_loop3A_393 : vector<16xf32>
        %parallel_loop3A_401 = arith.mulf %parallel_loop3A_400, %broadcast_in_dim3A : vector<16xf32>
        %parallel_loop3A_402 = arith.addf %parallel_loop3A_393, %parallel_loop3A_401 : vector<16xf32>
        %parallel_loop3A_403 = arith.index_cast %parallel_loop3A_279 : i32 to index
        %parallel_loop3A_404 = arith.constant 96 : index
        %parallel_loop3A_405 = tpu.vector_load %arg5[%parallel_loop3A_403, %parallel_loop3A_404] {strides = array<i32>} : memref<96x225xf32, #tpu.memory_space<vmem>>, vector<16xf32>,
        tpu.vector_store %arg5[%parallel_loop3A_403, %parallel_loop3A_404], %parallel_loop3A_402 {strides = array<i32>} : memref<96x225xf32, #tpu.memory_space<vmem>>, vector<16xf32>,
        %parallel_loop3A_406 = arith.constant 0 : i32
        %parallel_loop3A_407 = arith.index_cast %and3A_165 : i32 to index
        %parallel_loop3A_408 = arith.index_cast %parallel_loop3A_279 : i32 to index
        %parallel_loop3A_409 = arith.index_cast %parallel_loop3A_406 : i32 to index
        %parallel_loop3A_410 = arith.constant 112 : index
        %parallel_loop3A_411 = tpu.vector_load %arg4[%parallel_loop3A_407, %parallel_loop3A_408, %parallel_loop3A_409, %parallel_loop3A_410] {strides = array<i32>} : memref<2x96x2x224xf32, #tpu.memory_space<vmem>>, vector<16xf32>,
        %parallel_loop3A_412 = arith.constant 1 : i32
        %parallel_loop3A_413 = arith.index_cast %and3A_165 : i32 to index
        %parallel_loop3A_414 = arith.index_cast %parallel_loop3A_279 : i32 to index
        %parallel_loop3A_415 = arith.index_cast %parallel_loop3A_412 : i32 to index
        %parallel_loop3A_416 = arith.constant 112 : index
        %parallel_loop3A_417 = tpu.vector_load %arg4[%parallel_loop3A_413, %parallel_loop3A_414, %parallel_loop3A_415, %parallel_loop3A_416] {strides = array<i32>} : memref<2x96x2x224xf32, #tpu.memory_space<vmem>>, vector<16xf32>,
        %parallel_loop3A_418 = arith.subf %parallel_loop3A_417, %parallel_loop3A_411 : vector<16xf32>
        %parallel_loop3A_419 = arith.mulf %parallel_loop3A_418, %broadcast_in_dim3A : vector<16xf32>
        %parallel_loop3A_420 = arith.addf %parallel_loop3A_411, %parallel_loop3A_419 : vector<16xf32>
        %parallel_loop3A_421 = arith.index_cast %parallel_loop3A_279 : i32 to index
        %parallel_loop3A_422 = arith.constant 112 : index
        %parallel_loop3A_423 = tpu.vector_load %arg5[%parallel_loop3A_421, %parallel_loop3A_422] {strides = array<i32>} : memref<96x225xf32, #tpu.memory_space<vmem>>, vector<16xf32>,
        tpu.vector_store %arg5[%parallel_loop3A_421, %parallel_loop3A_422], %parallel_loop3A_420 {strides = array<i32>} : memref<96x225xf32, #tpu.memory_space<vmem>>, vector<16xf32>,
        %parallel_loop3A_424 = arith.constant 0 : i32
        %parallel_loop3A_425 = arith.index_cast %and3A_165 : i32 to index
        %parallel_loop3A_426 = arith.index_cast %parallel_loop3A_279 : i32 to index
        %parallel_loop3A_427 = arith.index_cast %parallel_loop3A_424 : i32 to index
        %parallel_loop3A_428 = arith.constant 128 : index
        %parallel_loop3A_429 = tpu.vector_load %arg4[%parallel_loop3A_425, %parallel_loop3A_426, %parallel_loop3A_427, %parallel_loop3A_428] {strides = array<i32>} : memref<2x96x2x224xf32, #tpu.memory_space<vmem>>, vector<16xf32>,
        %parallel_loop3A_430 = arith.constant 1 : i32
        %parallel_loop3A_431 = arith.index_cast %and3A_165 : i32 to index
        %parallel_loop3A_432 = arith.index_cast %parallel_loop3A_279 : i32 to index
        %parallel_loop3A_433 = arith.index_cast %parallel_loop3A_430 : i32 to index
        %parallel_loop3A_434 = arith.constant 128 : index
        %parallel_loop3A_435 = tpu.vector_load %arg4[%parallel_loop3A_431, %parallel_loop3A_432, %parallel_loop3A_433, %parallel_loop3A_434] {strides = array<i32>} : memref<2x96x2x224xf32, #tpu.memory_space<vmem>>, vector<16xf32>,
        %parallel_loop3A_436 = arith.subf %parallel_loop3A_435, %parallel_loop3A_429 : vector<16xf32>
        %parallel_loop3A_437 = arith.mulf %parallel_loop3A_436, %broadcast_in_dim3A : vector<16xf32>
        %parallel_loop3A_438 = arith.addf %parallel_loop3A_429, %parallel_loop3A_437 : vector<16xf32>
        %parallel_loop3A_439 = arith.index_cast %parallel_loop3A_279 : i32 to index
        %parallel_loop3A_440 = arith.constant 128 : index
        %parallel_loop3A_441 = tpu.vector_load %arg5[%parallel_loop3A_439, %parallel_loop3A_440] {strides = array<i32>} : memref<96x225xf32, #tpu.memory_space<vmem>>, vector<16xf32>,
        tpu.vector_store %arg5[%parallel_loop3A_439, %parallel_loop3A_440], %parallel_loop3A_438 {strides = array<i32>} : memref<96x225xf32, #tpu.memory_space<vmem>>, vector<16xf32>,
        %parallel_loop3A_442 = arith.constant 0 : i32
        %parallel_loop3A_443 = arith.index_cast %and3A_165 : i32 to index
        %parallel_loop3A_444 = arith.index_cast %parallel_loop3A_279 : i32 to index
        %parallel_loop3A_445 = arith.index_cast %parallel_loop3A_442 : i32 to index
        %parallel_loop3A_446 = arith.constant 144 : index
        %parallel_loop3A_447 = tpu.vector_load %arg4[%parallel_loop3A_443, %parallel_loop3A_444, %parallel_loop3A_445, %parallel_loop3A_446] {strides = array<i32>} : memref<2x96x2x224xf32, #tpu.memory_space<vmem>>, vector<16xf32>,
        %parallel_loop3A_448 = arith.constant 1 : i32
        %parallel_loop3A_449 = arith.index_cast %and3A_165 : i32 to index
        %parallel_loop3A_450 = arith.index_cast %parallel_loop3A_279 : i32 to index
        %parallel_loop3A_451 = arith.index_cast %parallel_loop3A_448 : i32 to index
        %parallel_loop3A_452 = arith.constant 144 : index
        %parallel_loop3A_453 = tpu.vector_load %arg4[%parallel_loop3A_449, %parallel_loop3A_450, %parallel_loop3A_451, %parallel_loop3A_452] {strides = array<i32>} : memref<2x96x2x224xf32, #tpu.memory_space<vmem>>, vector<16xf32>,
        %parallel_loop3A_454 = arith.subf %parallel_loop3A_453, %parallel_loop3A_447 : vector<16xf32>
        %parallel_loop3A_455 = arith.mulf %parallel_loop3A_454, %broadcast_in_dim3A : vector<16xf32>
        %parallel_loop3A_456 = arith.addf %parallel_loop3A_447, %parallel_loop3A_455 : vector<16xf32>
        %parallel_loop3A_457 = arith.index_cast %parallel_loop3A_279 : i32 to index
        %parallel_loop3A_458 = arith.constant 144 : index
        %parallel_loop3A_459 = tpu.vector_load %arg5[%parallel_loop3A_457, %parallel_loop3A_458] {strides = array<i32>} : memref<96x225xf32, #tpu.memory_space<vmem>>, vector<16xf32>,
        tpu.vector_store %arg5[%parallel_loop3A_457, %parallel_loop3A_458], %parallel_loop3A_456 {strides = array<i32>} : memref<96x225xf32, #tpu.memory_space<vmem>>, vector<16xf32>,
        %parallel_loop3A_460 = arith.constant 0 : i32
        %parallel_loop3A_461 = arith.index_cast %and3A_165 : i32 to index
        %parallel_loop3A_462 = arith.index_cast %parallel_loop3A_279 : i32 to index
        %parallel_loop3A_463 = arith.index_cast %parallel_loop3A_460 : i32 to index
        %parallel_loop3A_464 = arith.constant 160 : index
        %parallel_loop3A_465 = tpu.vector_load %arg4[%parallel_loop3A_461, %parallel_loop3A_462, %parallel_loop3A_463, %parallel_loop3A_464] {strides = array<i32>} : memref<2x96x2x224xf32, #tpu.memory_space<vmem>>, vector<16xf32>,
        %parallel_loop3A_466 = arith.constant 1 : i32
        %parallel_loop3A_467 = arith.index_cast %and3A_165 : i32 to index
        %parallel_loop3A_468 = arith.index_cast %parallel_loop3A_279 : i32 to index
        %parallel_loop3A_469 = arith.index_cast %parallel_loop3A_466 : i32 to index
        %parallel_loop3A_470 = arith.constant 160 : index
        %parallel_loop3A_471 = tpu.vector_load %arg4[%parallel_loop3A_467, %parallel_loop3A_468, %parallel_loop3A_469, %parallel_loop3A_470] {strides = array<i32>} : memref<2x96x2x224xf32, #tpu.memory_space<vmem>>, vector<16xf32>,
        %parallel_loop3A_472 = arith.subf %parallel_loop3A_471, %parallel_loop3A_465 : vector<16xf32>
        %parallel_loop3A_473 = arith.mulf %parallel_loop3A_472, %broadcast_in_dim3A : vector<16xf32>
        %parallel_loop3A_474 = arith.addf %parallel_loop3A_465, %parallel_loop3A_473 : vector<16xf32>
        %parallel_loop3A_475 = arith.index_cast %parallel_loop3A_279 : i32 to index
        %parallel_loop3A_476 = arith.constant 160 : index
        %parallel_loop3A_477 = tpu.vector_load %arg5[%parallel_loop3A_475, %parallel_loop3A_476] {strides = array<i32>} : memref<96x225xf32, #tpu.memory_space<vmem>>, vector<16xf32>,
        tpu.vector_store %arg5[%parallel_loop3A_475, %parallel_loop3A_476], %parallel_loop3A_474 {strides = array<i32>} : memref<96x225xf32, #tpu.memory_space<vmem>>, vector<16xf32>,
        %parallel_loop3A_478 = arith.constant 0 : i32
        %parallel_loop3A_479 = arith.index_cast %and3A_165 : i32 to index
        %parallel_loop3A_480 = arith.index_cast %parallel_loop3A_279 : i32 to index
        %parallel_loop3A_481 = arith.index_cast %parallel_loop3A_478 : i32 to index
        %parallel_loop3A_482 = arith.constant 176 : index
        %parallel_loop3A_483 = tpu.vector_load %arg4[%parallel_loop3A_479, %parallel_loop3A_480, %parallel_loop3A_481, %parallel_loop3A_482] {strides = array<i32>} : memref<2x96x2x224xf32, #tpu.memory_space<vmem>>, vector<16xf32>,
        %parallel_loop3A_484 = arith.constant 1 : i32
        %parallel_loop3A_485 = arith.index_cast %and3A_165 : i32 to index
        %parallel_loop3A_486 = arith.index_cast %parallel_loop3A_279 : i32 to index
        %parallel_loop3A_487 = arith.index_cast %parallel_loop3A_484 : i32 to index
        %parallel_loop3A_488 = arith.constant 176 : index
        %parallel_loop3A_489 = tpu.vector_load %arg4[%parallel_loop3A_485, %parallel_loop3A_486, %parallel_loop3A_487, %parallel_loop3A_488] {strides = array<i32>} : memref<2x96x2x224xf32, #tpu.memory_space<vmem>>, vector<16xf32>,
        %parallel_loop3A_490 = arith.subf %parallel_loop3A_489, %parallel_loop3A_483 : vector<16xf32>
        %parallel_loop3A_491 = arith.mulf %parallel_loop3A_490, %broadcast_in_dim3A : vector<16xf32>
        %parallel_loop3A_492 = arith.addf %parallel_loop3A_483, %parallel_loop3A_491 : vector<16xf32>
        %parallel_loop3A_493 = arith.index_cast %parallel_loop3A_279 : i32 to index
        %parallel_loop3A_494 = arith.constant 176 : index
        %parallel_loop3A_495 = tpu.vector_load %arg5[%parallel_loop3A_493, %parallel_loop3A_494] {strides = array<i32>} : memref<96x225xf32, #tpu.memory_space<vmem>>, vector<16xf32>,
        tpu.vector_store %arg5[%parallel_loop3A_493, %parallel_loop3A_494], %parallel_loop3A_492 {strides = array<i32>} : memref<96x225xf32, #tpu.memory_space<vmem>>, vector<16xf32>,
        %parallel_loop3A_496 = arith.constant 0 : i32
        %parallel_loop3A_497 = arith.index_cast %and3A_165 : i32 to index
        %parallel_loop3A_498 = arith.index_cast %parallel_loop3A_279 : i32 to index
        %parallel_loop3A_499 = arith.index_cast %parallel_loop3A_496 : i32 to index
        %parallel_loop3A_500 = arith.constant 192 : index
        %parallel_loop3A_501 = tpu.vector_load %arg4[%parallel_loop3A_497, %parallel_loop3A_498, %parallel_loop3A_499, %parallel_loop3A_500] {strides = array<i32>} : memref<2x96x2x224xf32, #tpu.memory_space<vmem>>, vector<16xf32>,
        %parallel_loop3A_502 = arith.constant 1 : i32
        %parallel_loop3A_503 = arith.index_cast %and3A_165 : i32 to index
        %parallel_loop3A_504 = arith.index_cast %parallel_loop3A_279 : i32 to index
        %parallel_loop3A_505 = arith.index_cast %parallel_loop3A_502 : i32 to index
        %parallel_loop3A_506 = arith.constant 192 : index
        %parallel_loop3A_507 = tpu.vector_load %arg4[%parallel_loop3A_503, %parallel_loop3A_504, %parallel_loop3A_505, %parallel_loop3A_506] {strides = array<i32>} : memref<2x96x2x224xf32, #tpu.memory_space<vmem>>, vector<16xf32>,
        %parallel_loop3A_508 = arith.subf %parallel_loop3A_507, %parallel_loop3A_501 : vector<16xf32>
        %parallel_loop3A_509 = arith.mulf %parallel_loop3A_508, %broadcast_in_dim3A : vector<16xf32>
        %parallel_loop3A_510 = arith.addf %parallel_loop3A_501, %parallel_loop3A_509 : vector<16xf32>
        %parallel_loop3A_511 = arith.index_cast %parallel_loop3A_279 : i32 to index
        %parallel_loop3A_512 = arith.constant 192 : index
        %parallel_loop3A_513 = tpu.vector_load %arg5[%parallel_loop3A_511, %parallel_loop3A_512] {strides = array<i32>} : memref<96x225xf32, #tpu.memory_space<vmem>>, vector<16xf32>,
        tpu.vector_store %arg5[%parallel_loop3A_511, %parallel_loop3A_512], %parallel_loop3A_510 {strides = array<i32>} : memref<96x225xf32, #tpu.memory_space<vmem>>, vector<16xf32>,
        %parallel_loop3A_514 = arith.constant 0 : i32
        %parallel_loop3A_515 = arith.index_cast %and3A_165 : i32 to index
        %parallel_loop3A_516 = arith.index_cast %parallel_loop3A_279 : i32 to index
        %parallel_loop3A_517 = arith.index_cast %parallel_loop3A_514 : i32 to index
        %parallel_loop3A_518 = arith.constant 208 : index
        %parallel_loop3A_519 = tpu.vector_load %arg4[%parallel_loop3A_515, %parallel_loop3A_516, %parallel_loop3A_517, %parallel_loop3A_518] {strides = array<i32>} : memref<2x96x2x224xf32, #tpu.memory_space<vmem>>, vector<16xf32>,
        %parallel_loop3A_520 = arith.constant 1 : i32
        %parallel_loop3A_521 = arith.index_cast %and3A_165 : i32 to index
        %parallel_loop3A_522 = arith.index_cast %parallel_loop3A_279 : i32 to index
        %parallel_loop3A_523 = arith.index_cast %parallel_loop3A_520 : i32 to index
        %parallel_loop3A_524 = arith.constant 208 : index
        %parallel_loop3A_525 = tpu.vector_load %arg4[%parallel_loop3A_521, %parallel_loop3A_522, %parallel_loop3A_523, %parallel_loop3A_524] {strides = array<i32>} : memref<2x96x2x224xf32, #tpu.memory_space<vmem>>, vector<16xf32>,
        %parallel_loop3A_526 = arith.subf %parallel_loop3A_525, %parallel_loop3A_519 : vector<16xf32>
        %parallel_loop3A_527 = arith.mulf %parallel_loop3A_526, %broadcast_in_dim3A : vector<16xf32>
        %parallel_loop3A_528 = arith.addf %parallel_loop3A_519, %parallel_loop3A_527 : vector<16xf32>
        %parallel_loop3A_529 = arith.index_cast %parallel_loop3A_279 : i32 to index
        %parallel_loop3A_530 = arith.constant 208 : index
        %parallel_loop3A_531 = tpu.vector_load %arg5[%parallel_loop3A_529, %parallel_loop3A_530] {strides = array<i32>} : memref<96x225xf32, #tpu.memory_space<vmem>>, vector<16xf32>,
        tpu.vector_store %arg5[%parallel_loop3A_529, %parallel_loop3A_530], %parallel_loop3A_528 {strides = array<i32>} : memref<96x225xf32, #tpu.memory_space<vmem>>, vector<16xf32>,
      } {sc.loop_unroll_factor = 2 : i64, sc.parallel_access}
      %gt3A = arith.constant 0 : i32
      %gt3A_258 = arith.cmpi sgt, %scan3A_163, %gt3A : i32
      %convert_element_type3A_259 = arith.extui %gt3A_258 : i1 to i32
      %cond3A_260 = arith.constant 0 : i32
      %cond3A_261 = arith.cmpi ne, %convert_element_type3A_259, %cond3A_260 : i32
      scf.if %cond3A_261 {
        %sub3A_279 = arith.constant 1 : i32
        %sub3A_280 = arith.subi %scan3A_163, %sub3A_279 : i32
        %mul3A_281 = arith.constant 56 : i32
        %mul3A_282 = arith.muli %add3A, %mul3A_281 : i32
        %add3A_283 = arith.addi %mul3A_282, %sub3A_280 : i32
        %jit3A_284 = arith.constant 448 : i32
        %div3A_285 = arith.divsi %add3A_283, %jit3A_284 : i32
        %sign3A_286 = arith.constant 0 : i32
        %sign3A_287 = arith.cmpi sgt, %add3A_283, %sign3A_286 : i32
        %sign3A_288 = arith.extui %sign3A_287 : i1 to i32
        %sign3A_289 = arith.constant 0 : i32
        %sign3A_290 = arith.cmpi slt, %add3A_283, %sign3A_289 : i32
        %sign3A_291 = arith.extui %sign3A_290 : i1 to i32
        %sign3A_292 = arith.subi %sign3A_288, %sign3A_291 : i32
        %sign3A_293 = arith.constant 0 : i32
        %sign3A_294 = arith.cmpi sgt, %jit3A_284, %sign3A_293 : i32
        %sign3A_295 = arith.extui %sign3A_294 : i1 to i32
        %sign3A_296 = arith.constant 0 : i32
        %sign3A_297 = arith.cmpi slt, %jit3A_284, %sign3A_296 : i32
        %sign3A_298 = arith.extui %sign3A_297 : i1 to i32
        %sign3A_299 = arith.subi %sign3A_295, %sign3A_298 : i32
        %ne3A_300 = arith.cmpi ne, %sign3A_292, %sign3A_299 : i32
        %rem3A_301 = arith.remsi %add3A_283, %jit3A_284 : i32
        %ne3A_302 = arith.constant 0 : i32
        %ne3A_303 = arith.cmpi ne, %rem3A_301, %ne3A_302 : i32
        %and3A_304 = arith.andi %ne3A_300, %ne3A_303 : i1
        %sub3A_305 = arith.constant 1 : i32
        %sub3A_306 = arith.subi %div3A_285, %sub3A_305 : i32
        %select_n3A_307 = arith.select %and3A_304, %sub3A_306, %div3A_285 : i32
        %mul3A_308 = arith.constant 448 : i32
        %mul3A_309 = arith.muli %select_n3A_307, %mul3A_308 : i32
        %sub3A_310 = arith.subi %add3A_283, %mul3A_309 : i32
        %mul3A_311 = arith.constant 223 : i32
        %mul3A_312 = arith.muli %sub3A_310, %mul3A_311 : i32
        %jit3A_313 = arith.constant 447 : i32
        %div3A_314 = arith.divsi %mul3A_312, %jit3A_313 : i32
        %sign3A_315 = arith.constant 0 : i32
        %sign3A_316 = arith.cmpi sgt, %mul3A_312, %sign3A_315 : i32
        %sign3A_317 = arith.extui %sign3A_316 : i1 to i32
        %sign3A_318 = arith.constant 0 : i32
        %sign3A_319 = arith.cmpi slt, %mul3A_312, %sign3A_318 : i32
        %sign3A_320 = arith.extui %sign3A_319 : i1 to i32
        %sign3A_321 = arith.subi %sign3A_317, %sign3A_320 : i32
        %sign3A_322 = arith.constant 0 : i32
        %sign3A_323 = arith.cmpi sgt, %jit3A_313, %sign3A_322 : i32
        %sign3A_324 = arith.extui %sign3A_323 : i1 to i32
        %sign3A_325 = arith.constant 0 : i32
        %sign3A_326 = arith.cmpi slt, %jit3A_313, %sign3A_325 : i32
        %sign3A_327 = arith.extui %sign3A_326 : i1 to i32
        %sign3A_328 = arith.subi %sign3A_324, %sign3A_327 : i32
        %ne3A_329 = arith.cmpi ne, %sign3A_321, %sign3A_328 : i32
        %rem3A_330 = arith.remsi %mul3A_312, %jit3A_313 : i32
        %ne3A_331 = arith.constant 0 : i32
        %ne3A_332 = arith.cmpi ne, %rem3A_330, %ne3A_331 : i32
        %and3A_333 = arith.andi %ne3A_329, %ne3A_332 : i1
        %sub3A_334 = arith.constant 1 : i32
        %sub3A_335 = arith.subi %div3A_314, %sub3A_334 : i32
        %select_n3A_336 = arith.select %and3A_333, %sub3A_335, %div3A_314 : i32
        %mul3A_337 = arith.constant 447 : i32
        %mul3A_338 = arith.muli %select_n3A_336, %mul3A_337 : i32
        %sub3A_339 = arith.subi %mul3A_312, %mul3A_338 : i32
        %convert_element_type3A_340 = arith.sitofp %sub3A_339 : i32 to f32
        %mul3A_341 = arith.constant 0.00223713648 : f32
        %mul3A_342 = arith.mulf %convert_element_type3A_340, %mul3A_341 : f32
        %min3A_343 = arith.constant 222 : i32
        %min3A_344 = arith.minsi %select_n3A_336, %min3A_343 : i32
        %sub3A_345 = arith.subi %select_n3A_336, %min3A_344 : i32
        %convert_element_type3A_346 = arith.sitofp %sub3A_345 : i32 to f32
        %add3A_347 = arith.addf %mul3A_342, %convert_element_type3A_346 : f32
        %dma_wait3A_348 = arith.constant 0 : i32
        %dma_wait3A_349 = arith.constant 0 : i32
        %dma_wait3A_350 = tpu.memref_slice %arg6[%dma_wait3A_348, %dma_wait3A_349] : memref<48x449xf32, #tpu.memory_space<vmem>> -> memref<48x448xf32, #tpu.memory_space<vmem>>
        %dma_wait3A_351 = arith.constant 0 : i32
        %dma_wait3A_352 = arith.constant 0 : i32
        %dma_wait3A_353 = tpu.memref_slice %arg3[%select_n3A_307, %dma_wait3A_351, %sub3A_310, %dma_wait3A_352] : memref<4x48x448x448xf32, #tpu.memory_space<hbm>> -> memref<1x48x1x448xf32, #tpu.memory_space<hbm>>
        %dma_wait3A_354 = tpu.memref_squeeze %dma_wait3A_353 : memref<1x48x1x448xf32, #tpu.memory_space<hbm>> -> memref<48x448xf32, #tpu.memory_space<hbm>>
        %dma_wait3A_355 = arith.constant 0 : i32
        %dma_wait3A_356 = arith.constant 0 : i32
        %dma_wait3A_357 = tpu.memref_slice %arg3[%select_n3A_307, %dma_wait3A_355, %sub3A_310, %dma_wait3A_356] : memref<4x48x448x448xf32, #tpu.memory_space<hbm>> -> memref<1x48x1x448xf32, #tpu.memory_space<hbm>>
        %dma_wait3A_358 = tpu.memref_squeeze %dma_wait3A_357 : memref<1x48x1x448xf32, #tpu.memory_space<hbm>> -> memref<48x448xf32, #tpu.memory_space<hbm>>
        %dma_wait3A_359 = arith.constant 0 : i32
        %dma_wait3A_360 = arith.constant 0 : i32
        %dma_wait3A_361 = tpu.memref_slice %arg6[%dma_wait3A_359, %dma_wait3A_360] : memref<48x449xf32, #tpu.memory_space<vmem>> -> memref<48x448xf32, #tpu.memory_space<vmem>>
        tpu.wait_dma2 semaphore(%arg8 : memref<!tpu.dma_semaphore, #tpu.memory_space<semaphore_mem>>) src(%dma_wait3A_361 : memref<48x448xf32, #tpu.memory_space<vmem>>) dst(%dma_wait3A_358 : memref<48x448xf32, #tpu.memory_space<hbm>>)
      } else {
      }
      %parallel_loop3A_262 = arith.constant 0 : i32
      %parallel_loop3A_263 = arith.constant 448 : i32
      %parallel_loop3A_264 = arith.constant 1 : i32
      scf.for %parallel_loop3A_279 = %parallel_loop3A_262 to %parallel_loop3A_263 step %parallel_loop3A_264  : i32 {
        %parallel_loop3A_280 = arith.constant 223 : i32
        %parallel_loop3A_281 = arith.muli %parallel_loop3A_279, %parallel_loop3A_280 : i32
        %parallel_loop3A_282 = arith.constant 447 : i32
        %parallel_loop3A_283 = arith.divsi %parallel_loop3A_281, %parallel_loop3A_282 : i32
        %parallel_loop3A_284 = arith.constant 0 : i32
        %parallel_loop3A_285 = arith.cmpi sgt, %parallel_loop3A_281, %parallel_loop3A_284 : i32
        %parallel_loop3A_286 = arith.extui %parallel_loop3A_285 : i1 to i32
        %parallel_loop3A_287 = arith.constant 0 : i32
        %parallel_loop3A_288 = arith.cmpi slt, %parallel_loop3A_281, %parallel_loop3A_287 : i32
        %parallel_loop3A_289 = arith.extui %parallel_loop3A_288 : i1 to i32
        %parallel_loop3A_290 = arith.subi %parallel_loop3A_286, %parallel_loop3A_289 : i32
        %parallel_loop3A_291 = arith.constant 0 : i32
        %parallel_loop3A_292 = arith.cmpi sgt, %parallel_loop3A_282, %parallel_loop3A_291 : i32
        %parallel_loop3A_293 = arith.extui %parallel_loop3A_292 : i1 to i32
        %parallel_loop3A_294 = arith.constant 0 : i32
        %parallel_loop3A_295 = arith.cmpi slt, %parallel_loop3A_282, %parallel_loop3A_294 : i32
        %parallel_loop3A_296 = arith.extui %parallel_loop3A_295 : i1 to i32
        %parallel_loop3A_297 = arith.subi %parallel_loop3A_293, %parallel_loop3A_296 : i32
        %parallel_loop3A_298 = arith.cmpi ne, %parallel_loop3A_290, %parallel_loop3A_297 : i32
        %parallel_loop3A_299 = arith.remsi %parallel_loop3A_281, %parallel_loop3A_282 : i32
        %parallel_loop3A_300 = arith.constant 0 : i32
        %parallel_loop3A_301 = arith.cmpi ne, %parallel_loop3A_299, %parallel_loop3A_300 : i32
        %parallel_loop3A_302 = arith.andi %parallel_loop3A_298, %parallel_loop3A_301 : i1
        %parallel_loop3A_303 = arith.constant 1 : i32
        %parallel_loop3A_304 = arith.subi %parallel_loop3A_283, %parallel_loop3A_303 : i32
        %parallel_loop3A_305 = arith.select %parallel_loop3A_302, %parallel_loop3A_304, %parallel_loop3A_283 : i32
        %parallel_loop3A_306 = arith.constant 447 : i32
        %parallel_loop3A_307 = arith.muli %parallel_loop3A_305, %parallel_loop3A_306 : i32
        %parallel_loop3A_308 = arith.subi %parallel_loop3A_281, %parallel_loop3A_307 : i32
        %parallel_loop3A_309 = arith.sitofp %parallel_loop3A_308 : i32 to f32
        %parallel_loop3A_310 = arith.constant 0.00223713648 : f32
        %parallel_loop3A_311 = arith.mulf %parallel_loop3A_309, %parallel_loop3A_310 : f32
        %parallel_loop3A_312 = arith.constant 1 : i32
        %parallel_loop3A_313 = arith.addi %parallel_loop3A_305, %parallel_loop3A_312 : i32
        %parallel_loop3A_314 = arith.constant 223 : i32
        %parallel_loop3A_315 = arith.minsi %parallel_loop3A_313, %parallel_loop3A_314 : i32
        %parallel_loop3A_316 = vector.broadcast %parallel_loop3A_311 : f32 to vector<16xf32>
        %parallel_loop3A_317 = vector.broadcast %parallel_loop3A_305 : i32 to vector<16xi32>
        %parallel_loop3A_318 = vector.broadcast %parallel_loop3A_315 : i32 to vector<16xi32>
        %parallel_loop3A_319 = arith.constant 0 : i32
        %parallel_loop3A_320 = vector.broadcast %parallel_loop3A_319 : i32 to vector<16xi32>
        %parallel_loop3A_321 = arith.addi %iota3A, %parallel_loop3A_320 : vector<16xi32>
        %parallel_loop3A_322 = tpu.vector_load_idx %arg5[%parallel_loop3A_321, %parallel_loop3A_317] : memref<96x225xf32, #tpu.memory_space<vmem>>[vector<16xi32>, vector<16xi32>], vector<16xf32>,
        %parallel_loop3A_323 = tpu.vector_load_idx %arg5[%parallel_loop3A_321, %parallel_loop3A_318] : memref<96x225xf32, #tpu.memory_space<vmem>>[vector<16xi32>, vector<16xi32>], vector<16xf32>,
        %parallel_loop3A_324 = arith.subf %parallel_loop3A_323, %parallel_loop3A_322 : vector<16xf32>
        %parallel_loop3A_325 = arith.mulf %parallel_loop3A_324, %parallel_loop3A_316 : vector<16xf32>
        %parallel_loop3A_326 = arith.addf %parallel_loop3A_322, %parallel_loop3A_325 : vector<16xf32>
        %parallel_loop3A_327 = arith.constant 16 : i32
        %parallel_loop3A_328 = vector.broadcast %parallel_loop3A_327 : i32 to vector<16xi32>
        %parallel_loop3A_329 = arith.addi %iota3A, %parallel_loop3A_328 : vector<16xi32>
        %parallel_loop3A_330 = tpu.vector_load_idx %arg5[%parallel_loop3A_329, %parallel_loop3A_317] : memref<96x225xf32, #tpu.memory_space<vmem>>[vector<16xi32>, vector<16xi32>], vector<16xf32>,
        %parallel_loop3A_331 = tpu.vector_load_idx %arg5[%parallel_loop3A_329, %parallel_loop3A_318] : memref<96x225xf32, #tpu.memory_space<vmem>>[vector<16xi32>, vector<16xi32>], vector<16xf32>,
        %parallel_loop3A_332 = arith.subf %parallel_loop3A_331, %parallel_loop3A_330 : vector<16xf32>
        %parallel_loop3A_333 = arith.mulf %parallel_loop3A_332, %parallel_loop3A_316 : vector<16xf32>
        %parallel_loop3A_334 = arith.addf %parallel_loop3A_330, %parallel_loop3A_333 : vector<16xf32>
        %parallel_loop3A_335 = arith.constant 32 : i32
        %parallel_loop3A_336 = vector.broadcast %parallel_loop3A_335 : i32 to vector<16xi32>
        %parallel_loop3A_337 = arith.addi %iota3A, %parallel_loop3A_336 : vector<16xi32>
        %parallel_loop3A_338 = tpu.vector_load_idx %arg5[%parallel_loop3A_337, %parallel_loop3A_317] : memref<96x225xf32, #tpu.memory_space<vmem>>[vector<16xi32>, vector<16xi32>], vector<16xf32>,
        %parallel_loop3A_339 = tpu.vector_load_idx %arg5[%parallel_loop3A_337, %parallel_loop3A_318] : memref<96x225xf32, #tpu.memory_space<vmem>>[vector<16xi32>, vector<16xi32>], vector<16xf32>,
        %parallel_loop3A_340 = arith.subf %parallel_loop3A_339, %parallel_loop3A_338 : vector<16xf32>
        %parallel_loop3A_341 = arith.mulf %parallel_loop3A_340, %parallel_loop3A_316 : vector<16xf32>
        %parallel_loop3A_342 = arith.addf %parallel_loop3A_338, %parallel_loop3A_341 : vector<16xf32>
        %parallel_loop3A_343 = arith.constant 48 : i32
        %parallel_loop3A_344 = vector.broadcast %parallel_loop3A_343 : i32 to vector<16xi32>
        %parallel_loop3A_345 = arith.addi %iota3A, %parallel_loop3A_344 : vector<16xi32>
        %parallel_loop3A_346 = tpu.vector_load_idx %arg5[%parallel_loop3A_345, %parallel_loop3A_317] : memref<96x225xf32, #tpu.memory_space<vmem>>[vector<16xi32>, vector<16xi32>], vector<16xf32>,
        %parallel_loop3A_347 = tpu.vector_load_idx %arg5[%parallel_loop3A_345, %parallel_loop3A_318] : memref<96x225xf32, #tpu.memory_space<vmem>>[vector<16xi32>, vector<16xi32>], vector<16xf32>,
        %parallel_loop3A_348 = arith.subf %parallel_loop3A_347, %parallel_loop3A_346 : vector<16xf32>
        %parallel_loop3A_349 = arith.mulf %parallel_loop3A_348, %parallel_loop3A_316 : vector<16xf32>
        %parallel_loop3A_350 = arith.addf %parallel_loop3A_346, %parallel_loop3A_349 : vector<16xf32>
        %parallel_loop3A_351 = arith.constant 64 : i32
        %parallel_loop3A_352 = vector.broadcast %parallel_loop3A_351 : i32 to vector<16xi32>
        %parallel_loop3A_353 = arith.addi %iota3A, %parallel_loop3A_352 : vector<16xi32>
        %parallel_loop3A_354 = tpu.vector_load_idx %arg5[%parallel_loop3A_353, %parallel_loop3A_317] : memref<96x225xf32, #tpu.memory_space<vmem>>[vector<16xi32>, vector<16xi32>], vector<16xf32>,
        %parallel_loop3A_355 = tpu.vector_load_idx %arg5[%parallel_loop3A_353, %parallel_loop3A_318] : memref<96x225xf32, #tpu.memory_space<vmem>>[vector<16xi32>, vector<16xi32>], vector<16xf32>,
        %parallel_loop3A_356 = arith.subf %parallel_loop3A_355, %parallel_loop3A_354 : vector<16xf32>
        %parallel_loop3A_357 = arith.mulf %parallel_loop3A_356, %parallel_loop3A_316 : vector<16xf32>
        %parallel_loop3A_358 = arith.addf %parallel_loop3A_354, %parallel_loop3A_357 : vector<16xf32>
        %parallel_loop3A_359 = arith.constant 80 : i32
        %parallel_loop3A_360 = vector.broadcast %parallel_loop3A_359 : i32 to vector<16xi32>
        %parallel_loop3A_361 = arith.addi %iota3A, %parallel_loop3A_360 : vector<16xi32>
        %parallel_loop3A_362 = tpu.vector_load_idx %arg5[%parallel_loop3A_361, %parallel_loop3A_317] : memref<96x225xf32, #tpu.memory_space<vmem>>[vector<16xi32>, vector<16xi32>], vector<16xf32>,
        %parallel_loop3A_363 = tpu.vector_load_idx %arg5[%parallel_loop3A_361, %parallel_loop3A_318] : memref<96x225xf32, #tpu.memory_space<vmem>>[vector<16xi32>, vector<16xi32>], vector<16xf32>,
        %parallel_loop3A_364 = arith.subf %parallel_loop3A_363, %parallel_loop3A_362 : vector<16xf32>
        %parallel_loop3A_365 = arith.mulf %parallel_loop3A_364, %parallel_loop3A_316 : vector<16xf32>
        %parallel_loop3A_366 = arith.addf %parallel_loop3A_362, %parallel_loop3A_365 : vector<16xf32>
        %parallel_loop3A_367 = arith.constant dense<true> : vector<16xi1>
        %parallel_loop3A_368, %parallel_loop3A_369, %parallel_loop3A_370 = tpu.sort %parallel_loop3A_326, %parallel_loop3A_326 masked %parallel_loop3A_367 {descending = true} : (vector<16xf32>, vector<16xf32>, vector<16xi1>) -> (vector<16xi1>, vector<16xf32>, vector<16xf32>)
        %parallel_loop3A_371 = arith.constant dense<true> : vector<16xi1>
        %parallel_loop3A_372, %parallel_loop3A_373, %parallel_loop3A_374 = tpu.sort %parallel_loop3A_334, %parallel_loop3A_334 masked %parallel_loop3A_371 : (vector<16xf32>, vector<16xf32>, vector<16xi1>) -> (vector<16xi1>, vector<16xf32>, vector<16xf32>)
        %parallel_loop3A_375 = arith.maximumf %parallel_loop3A_369, %parallel_loop3A_373 : vector<16xf32>
        %parallel_loop3A_376 = arith.minimumf %parallel_loop3A_369, %parallel_loop3A_373 : vector<16xf32>
        %parallel_loop3A_377 = arith.constant dense<true> : vector<16xi1>
        %parallel_loop3A_378, %parallel_loop3A_379, %parallel_loop3A_380 = tpu.sort %parallel_loop3A_375, %parallel_loop3A_375 masked %parallel_loop3A_377 {descending = true} : (vector<16xf32>, vector<16xf32>, vector<16xi1>) -> (vector<16xi1>, vector<16xf32>, vector<16xf32>)
        %parallel_loop3A_381 = arith.constant dense<true> : vector<16xi1>
        %parallel_loop3A_382, %parallel_loop3A_383, %parallel_loop3A_384 = tpu.sort %parallel_loop3A_376, %parallel_loop3A_376 masked %parallel_loop3A_381 {descending = true} : (vector<16xf32>, vector<16xf32>, vector<16xi1>) -> (vector<16xi1>, vector<16xf32>, vector<16xf32>)
        %parallel_loop3A_385 = arith.constant dense<true> : vector<16xi1>
        %parallel_loop3A_386, %parallel_loop3A_387, %parallel_loop3A_388 = tpu.sort %parallel_loop3A_342, %parallel_loop3A_342 masked %parallel_loop3A_385 {descending = true} : (vector<16xf32>, vector<16xf32>, vector<16xi1>) -> (vector<16xi1>, vector<16xf32>, vector<16xf32>)
        %parallel_loop3A_389 = arith.constant dense<true> : vector<16xi1>
        %parallel_loop3A_390, %parallel_loop3A_391, %parallel_loop3A_392 = tpu.sort %parallel_loop3A_350, %parallel_loop3A_350 masked %parallel_loop3A_389 : (vector<16xf32>, vector<16xf32>, vector<16xi1>) -> (vector<16xi1>, vector<16xf32>, vector<16xf32>)
        %parallel_loop3A_393 = arith.maximumf %parallel_loop3A_387, %parallel_loop3A_391 : vector<16xf32>
        %parallel_loop3A_394 = arith.minimumf %parallel_loop3A_387, %parallel_loop3A_391 : vector<16xf32>
        %parallel_loop3A_395 = arith.constant dense<true> : vector<16xi1>
        %parallel_loop3A_396, %parallel_loop3A_397, %parallel_loop3A_398 = tpu.sort %parallel_loop3A_394, %parallel_loop3A_394 masked %parallel_loop3A_395 : (vector<16xf32>, vector<16xf32>, vector<16xi1>) -> (vector<16xi1>, vector<16xf32>, vector<16xf32>)
        %parallel_loop3A_399 = arith.constant dense<true> : vector<16xi1>
        %parallel_loop3A_400, %parallel_loop3A_401, %parallel_loop3A_402 = tpu.sort %parallel_loop3A_393, %parallel_loop3A_393 masked %parallel_loop3A_399 : (vector<16xf32>, vector<16xf32>, vector<16xi1>) -> (vector<16xi1>, vector<16xf32>, vector<16xf32>)
        %parallel_loop3A_403 = arith.constant dense<true> : vector<16xi1>
        %parallel_loop3A_404, %parallel_loop3A_405, %parallel_loop3A_406 = tpu.sort %parallel_loop3A_358, %parallel_loop3A_358 masked %parallel_loop3A_403 {descending = true} : (vector<16xf32>, vector<16xf32>, vector<16xi1>) -> (vector<16xi1>, vector<16xf32>, vector<16xf32>)
        %parallel_loop3A_407 = arith.constant dense<true> : vector<16xi1>
        %parallel_loop3A_408, %parallel_loop3A_409, %parallel_loop3A_410 = tpu.sort %parallel_loop3A_366, %parallel_loop3A_366 masked %parallel_loop3A_407 : (vector<16xf32>, vector<16xf32>, vector<16xi1>) -> (vector<16xi1>, vector<16xf32>, vector<16xf32>)
        %parallel_loop3A_411 = arith.maximumf %parallel_loop3A_405, %parallel_loop3A_409 : vector<16xf32>
        %parallel_loop3A_412 = arith.minimumf %parallel_loop3A_405, %parallel_loop3A_409 : vector<16xf32>
        %parallel_loop3A_413 = arith.constant dense<true> : vector<16xi1>
        %parallel_loop3A_414, %parallel_loop3A_415, %parallel_loop3A_416 = tpu.sort %parallel_loop3A_412, %parallel_loop3A_412 masked %parallel_loop3A_413 : (vector<16xf32>, vector<16xf32>, vector<16xi1>) -> (vector<16xi1>, vector<16xf32>, vector<16xf32>)
        %parallel_loop3A_417 = arith.constant dense<true> : vector<16xi1>
        %parallel_loop3A_418, %parallel_loop3A_419, %parallel_loop3A_420 = tpu.sort %parallel_loop3A_411, %parallel_loop3A_411 masked %parallel_loop3A_417 : (vector<16xf32>, vector<16xf32>, vector<16xi1>) -> (vector<16xi1>, vector<16xf32>, vector<16xf32>)
        %parallel_loop3A_421 = arith.maximumf %parallel_loop3A_379, %parallel_loop3A_397 : vector<16xf32>
        %parallel_loop3A_422 = arith.maximumf %parallel_loop3A_383, %parallel_loop3A_401 : vector<16xf32>
        %parallel_loop3A_423 = arith.minimumf %parallel_loop3A_379, %parallel_loop3A_397 : vector<16xf32>
        %parallel_loop3A_424 = arith.minimumf %parallel_loop3A_383, %parallel_loop3A_401 : vector<16xf32>
        %parallel_loop3A_425 = arith.maximumf %parallel_loop3A_421, %parallel_loop3A_422 : vector<16xf32>
        %parallel_loop3A_426 = arith.constant dense<true> : vector<16xi1>
        %parallel_loop3A_427, %parallel_loop3A_428, %parallel_loop3A_429 = tpu.sort %parallel_loop3A_425, %parallel_loop3A_425 masked %parallel_loop3A_426 {descending = true} : (vector<16xf32>, vector<16xf32>, vector<16xi1>) -> (vector<16xi1>, vector<16xf32>, vector<16xf32>)
        %parallel_loop3A_430 = arith.minimumf %parallel_loop3A_421, %parallel_loop3A_422 : vector<16xf32>
        %parallel_loop3A_431 = arith.constant dense<true> : vector<16xi1>
        %parallel_loop3A_432, %parallel_loop3A_433, %parallel_loop3A_434 = tpu.sort %parallel_loop3A_430, %parallel_loop3A_430 masked %parallel_loop3A_431 {descending = true} : (vector<16xf32>, vector<16xf32>, vector<16xi1>) -> (vector<16xi1>, vector<16xf32>, vector<16xf32>)
        %parallel_loop3A_435 = arith.maximumf %parallel_loop3A_423, %parallel_loop3A_424 : vector<16xf32>
        %parallel_loop3A_436 = arith.constant dense<true> : vector<16xi1>
        %parallel_loop3A_437, %parallel_loop3A_438, %parallel_loop3A_439 = tpu.sort %parallel_loop3A_435, %parallel_loop3A_435 masked %parallel_loop3A_436 {descending = true} : (vector<16xf32>, vector<16xf32>, vector<16xi1>) -> (vector<16xi1>, vector<16xf32>, vector<16xf32>)
        %parallel_loop3A_440 = arith.minimumf %parallel_loop3A_423, %parallel_loop3A_424 : vector<16xf32>
        %parallel_loop3A_441 = arith.constant dense<true> : vector<16xi1>
        %parallel_loop3A_442, %parallel_loop3A_443, %parallel_loop3A_444 = tpu.sort %parallel_loop3A_440, %parallel_loop3A_440 masked %parallel_loop3A_441 {descending = true} : (vector<16xf32>, vector<16xf32>, vector<16xi1>) -> (vector<16xi1>, vector<16xf32>, vector<16xf32>)
        %parallel_loop3A_445 = arith.maximumf %parallel_loop3A_438, %parallel_loop3A_415 : vector<16xf32>
        %parallel_loop3A_446 = arith.maximumf %parallel_loop3A_443, %parallel_loop3A_419 : vector<16xf32>
        %parallel_loop3A_447 = arith.maximumf %parallel_loop3A_428, %parallel_loop3A_445 : vector<16xf32>
        %parallel_loop3A_448 = arith.maximumf %parallel_loop3A_433, %parallel_loop3A_446 : vector<16xf32>
        %parallel_loop3A_449 = arith.minimumf %parallel_loop3A_428, %parallel_loop3A_445 : vector<16xf32>
        %parallel_loop3A_450 = arith.minimumf %parallel_loop3A_433, %parallel_loop3A_446 : vector<16xf32>
        %parallel_loop3A_451 = arith.maximumf %parallel_loop3A_447, %parallel_loop3A_448 : vector<16xf32>
        %parallel_loop3A_452 = arith.minimumf %parallel_loop3A_447, %parallel_loop3A_448 : vector<16xf32>
        %parallel_loop3A_453 = arith.maximumf %parallel_loop3A_449, %parallel_loop3A_450 : vector<16xf32>
        %parallel_loop3A_454 = arith.constant dense<true> : vector<16xi1>
        %parallel_loop3A_455, %parallel_loop3A_456, %parallel_loop3A_457 = tpu.sort %parallel_loop3A_451, %parallel_loop3A_451 masked %parallel_loop3A_454 {descending = true} : (vector<16xf32>, vector<16xf32>, vector<16xi1>) -> (vector<16xi1>, vector<16xf32>, vector<16xf32>)
        %parallel_loop3A_458 = arith.constant dense<true> : vector<16xi1>
        %parallel_loop3A_459, %parallel_loop3A_460, %parallel_loop3A_461 = tpu.sort %parallel_loop3A_452, %parallel_loop3A_452 masked %parallel_loop3A_458 {descending = true} : (vector<16xf32>, vector<16xf32>, vector<16xi1>) -> (vector<16xi1>, vector<16xf32>, vector<16xf32>)
        %parallel_loop3A_462 = arith.constant dense<true> : vector<16xi1>
        %parallel_loop3A_463, %parallel_loop3A_464, %parallel_loop3A_465 = tpu.sort %parallel_loop3A_453, %parallel_loop3A_453 masked %parallel_loop3A_462 {descending = true} : (vector<16xf32>, vector<16xf32>, vector<16xi1>) -> (vector<16xi1>, vector<16xf32>, vector<16xf32>)
        %parallel_loop3A_466 = vector.broadcast %parallel_loop3A_279 : i32 to vector<16xi32>
        %parallel_loop3A_467 = arith.constant 0 : i32
        %parallel_loop3A_468 = vector.broadcast %parallel_loop3A_467 : i32 to vector<16xi32>
        %parallel_loop3A_469 = arith.addi %iota3A, %parallel_loop3A_468 : vector<16xi32>
        tpu.vector_store_idx %arg6[%parallel_loop3A_469, %parallel_loop3A_466], %parallel_loop3A_456 : memref<48x449xf32, #tpu.memory_space<vmem>>[vector<16xi32>, vector<16xi32>], vector<16xf32>,
        %parallel_loop3A_470 = arith.constant 16 : i32
        %parallel_loop3A_471 = vector.broadcast %parallel_loop3A_470 : i32 to vector<16xi32>
        %parallel_loop3A_472 = arith.addi %iota3A, %parallel_loop3A_471 : vector<16xi32>
        tpu.vector_store_idx %arg6[%parallel_loop3A_472, %parallel_loop3A_466], %parallel_loop3A_460 : memref<48x449xf32, #tpu.memory_space<vmem>>[vector<16xi32>, vector<16xi32>], vector<16xf32>,
        %parallel_loop3A_473 = arith.constant 32 : i32
        %parallel_loop3A_474 = vector.broadcast %parallel_loop3A_473 : i32 to vector<16xi32>
        %parallel_loop3A_475 = arith.addi %iota3A, %parallel_loop3A_474 : vector<16xi32>
        tpu.vector_store_idx %arg6[%parallel_loop3A_475, %parallel_loop3A_466], %parallel_loop3A_464 : memref<48x449xf32, #tpu.memory_space<vmem>>[vector<16xi32>, vector<16xi32>], vector<16xf32>,
      } {sc.loop_unroll_factor = 2 : i64, sc.parallel_access}
      %dma_start3A_265 = arith.constant 0 : i32
      %dma_start3A_266 = arith.constant 0 : i32
      %dma_start3A_267 = tpu.memref_slice %arg6[%dma_start3A_265, %dma_start3A_266] : memref<48x449xf32, #tpu.memory_space<vmem>> -> memref<48x448xf32, #tpu.memory_space<vmem>>
      %dma_start3A_268 = arith.constant 0 : i32
      %dma_start3A_269 = arith.constant 0 : i32
      %dma_start3A_270 = tpu.memref_slice %arg3[%select_n3A_192, %dma_start3A_268, %sub3A_195, %dma_start3A_269] : memref<4x48x448x448xf32, #tpu.memory_space<hbm>> -> memref<1x48x1x448xf32, #tpu.memory_space<hbm>>
      %dma_start3A_271 = tpu.memref_squeeze %dma_start3A_270 : memref<1x48x1x448xf32, #tpu.memory_space<hbm>> -> memref<48x448xf32, #tpu.memory_space<hbm>>
      %dma_start3A_272 = arith.constant 0 : i32
      %dma_start3A_273 = arith.constant 0 : i32
      %dma_start3A_274 = tpu.memref_slice %arg3[%select_n3A_192, %dma_start3A_272, %sub3A_195, %dma_start3A_273] : memref<4x48x448x448xf32, #tpu.memory_space<hbm>> -> memref<1x48x1x448xf32, #tpu.memory_space<hbm>>
      %dma_start3A_275 = tpu.memref_squeeze %dma_start3A_274 : memref<1x48x1x448xf32, #tpu.memory_space<hbm>> -> memref<48x448xf32, #tpu.memory_space<hbm>>
      %dma_start3A_276 = arith.constant 0 : i32
      %dma_start3A_277 = arith.constant 0 : i32
      %dma_start3A_278 = tpu.memref_slice %arg6[%dma_start3A_276, %dma_start3A_277] : memref<48x449xf32, #tpu.memory_space<vmem>> -> memref<48x448xf32, #tpu.memory_space<vmem>>
      tpu.enqueue_dma source(%dma_start3A_278 : memref<48x448xf32, #tpu.memory_space<vmem>>) target(%dma_start3A_275 : memref<48x448xf32, #tpu.memory_space<hbm>>) target_semaphore(%arg8 : memref<!tpu.dma_semaphore, #tpu.memory_space<semaphore_mem>>)
    }
    %scan3A_81 = arith.constant 56 : i32
    %mul3A_82 = arith.constant 56 : i32
    %mul3A_83 = arith.muli %add3A, %mul3A_82 : i32
    %add3A_84 = arith.constant 55 : i32
    %add3A_85 = arith.addi %mul3A_83, %add3A_84 : i32
    %jit3A_86 = arith.constant 448 : i32
    %div3A_87 = arith.divsi %add3A_85, %jit3A_86 : i32
    %sign3A_88 = arith.constant 0 : i32
    %sign3A_89 = arith.cmpi sgt, %add3A_85, %sign3A_88 : i32
    %sign3A_90 = arith.extui %sign3A_89 : i1 to i32
    %sign3A_91 = arith.constant 0 : i32
    %sign3A_92 = arith.cmpi slt, %add3A_85, %sign3A_91 : i32
    %sign3A_93 = arith.extui %sign3A_92 : i1 to i32
    %sign3A_94 = arith.subi %sign3A_90, %sign3A_93 : i32
    %sign3A_95 = arith.constant 0 : i32
    %sign3A_96 = arith.cmpi sgt, %jit3A_86, %sign3A_95 : i32
    %sign3A_97 = arith.extui %sign3A_96 : i1 to i32
    %sign3A_98 = arith.constant 0 : i32
    %sign3A_99 = arith.cmpi slt, %jit3A_86, %sign3A_98 : i32
    %sign3A_100 = arith.extui %sign3A_99 : i1 to i32
    %sign3A_101 = arith.subi %sign3A_97, %sign3A_100 : i32
    %ne3A_102 = arith.cmpi ne, %sign3A_94, %sign3A_101 : i32
    %rem3A_103 = arith.remsi %add3A_85, %jit3A_86 : i32
    %ne3A_104 = arith.constant 0 : i32
    %ne3A_105 = arith.cmpi ne, %rem3A_103, %ne3A_104 : i32
    %and3A_106 = arith.andi %ne3A_102, %ne3A_105 : i1
    %sub3A_107 = arith.constant 1 : i32
    %sub3A_108 = arith.subi %div3A_87, %sub3A_107 : i32
    %select_n3A_109 = arith.select %and3A_106, %sub3A_108, %div3A_87 : i32
    %mul3A_110 = arith.constant 448 : i32
    %mul3A_111 = arith.muli %select_n3A_109, %mul3A_110 : i32
    %sub3A_112 = arith.subi %add3A_85, %mul3A_111 : i32
    %mul3A_113 = arith.constant 223 : i32
    %mul3A_114 = arith.muli %sub3A_112, %mul3A_113 : i32
    %jit3A_115 = arith.constant 447 : i32
    %div3A_116 = arith.divsi %mul3A_114, %jit3A_115 : i32
    %sign3A_117 = arith.constant 0 : i32
    %sign3A_118 = arith.cmpi sgt, %mul3A_114, %sign3A_117 : i32
    %sign3A_119 = arith.extui %sign3A_118 : i1 to i32
    %sign3A_120 = arith.constant 0 : i32
    %sign3A_121 = arith.cmpi slt, %mul3A_114, %sign3A_120 : i32
    %sign3A_122 = arith.extui %sign3A_121 : i1 to i32
    %sign3A_123 = arith.subi %sign3A_119, %sign3A_122 : i32
    %sign3A_124 = arith.constant 0 : i32
    %sign3A_125 = arith.cmpi sgt, %jit3A_115, %sign3A_124 : i32
    %sign3A_126 = arith.extui %sign3A_125 : i1 to i32
    %sign3A_127 = arith.constant 0 : i32
    %sign3A_128 = arith.cmpi slt, %jit3A_115, %sign3A_127 : i32
    %sign3A_129 = arith.extui %sign3A_128 : i1 to i32
    %sign3A_130 = arith.subi %sign3A_126, %sign3A_129 : i32
    %ne3A_131 = arith.cmpi ne, %sign3A_123, %sign3A_130 : i32
    %rem3A_132 = arith.remsi %mul3A_114, %jit3A_115 : i32
    %ne3A_133 = arith.constant 0 : i32
    %ne3A_134 = arith.cmpi ne, %rem3A_132, %ne3A_133 : i32
    %and3A_135 = arith.andi %ne3A_131, %ne3A_134 : i1
    %sub3A_136 = arith.constant 1 : i32
    %sub3A_137 = arith.subi %div3A_116, %sub3A_136 : i32
    %select_n3A_138 = arith.select %and3A_135, %sub3A_137, %div3A_116 : i32
    %mul3A_139 = arith.constant 447 : i32
    %mul3A_140 = arith.muli %select_n3A_138, %mul3A_139 : i32
    %sub3A_141 = arith.subi %mul3A_114, %mul3A_140 : i32
    %convert_element_type3A_142 = arith.sitofp %sub3A_141 : i32 to f32
    %mul3A_143 = arith.constant 0.00223713648 : f32
    %mul3A_144 = arith.mulf %convert_element_type3A_142, %mul3A_143 : f32
    %min3A_145 = arith.constant 222 : i32
    %min3A_146 = arith.minsi %select_n3A_138, %min3A_145 : i32
    %sub3A_147 = arith.subi %select_n3A_138, %min3A_146 : i32
    %convert_element_type3A_148 = arith.sitofp %sub3A_147 : i32 to f32
    %add3A_149 = arith.addf %mul3A_144, %convert_element_type3A_148 : f32
    %dma_wait3A = arith.constant 0 : i32
    %dma_wait3A_150 = arith.constant 0 : i32
    %dma_wait3A_151 = tpu.memref_slice %arg6[%dma_wait3A, %dma_wait3A_150] : memref<48x449xf32, #tpu.memory_space<vmem>> -> memref<48x448xf32, #tpu.memory_space<vmem>>
    %dma_wait3A_152 = arith.constant 0 : i32
    %dma_wait3A_153 = arith.constant 0 : i32
    %dma_wait3A_154 = tpu.memref_slice %arg3[%select_n3A_109, %dma_wait3A_152, %sub3A_112, %dma_wait3A_153] : memref<4x48x448x448xf32, #tpu.memory_space<hbm>> -> memref<1x48x1x448xf32, #tpu.memory_space<hbm>>
    %dma_wait3A_155 = tpu.memref_squeeze %dma_wait3A_154 : memref<1x48x1x448xf32, #tpu.memory_space<hbm>> -> memref<48x448xf32, #tpu.memory_space<hbm>>
    %dma_wait3A_156 = arith.constant 0 : i32
    %dma_wait3A_157 = arith.constant 0 : i32
    %dma_wait3A_158 = tpu.memref_slice %arg3[%select_n3A_109, %dma_wait3A_156, %sub3A_112, %dma_wait3A_157] : memref<4x48x448x448xf32, #tpu.memory_space<hbm>> -> memref<1x48x1x448xf32, #tpu.memory_space<hbm>>
    %dma_wait3A_159 = tpu.memref_squeeze %dma_wait3A_158 : memref<1x48x1x448xf32, #tpu.memory_space<hbm>> -> memref<48x448xf32, #tpu.memory_space<hbm>>
    %dma_wait3A_160 = arith.constant 0 : i32
    %dma_wait3A_161 = arith.constant 0 : i32
    %dma_wait3A_162 = tpu.memref_slice %arg6[%dma_wait3A_160, %dma_wait3A_161] : memref<48x449xf32, #tpu.memory_space<vmem>> -> memref<48x448xf32, #tpu.memory_space<vmem>>
    tpu.wait_dma2 semaphore(%arg8 : memref<!tpu.dma_semaphore, #tpu.memory_space<semaphore_mem>>) src(%dma_wait3A_162 : memref<48x448xf32, #tpu.memory_space<vmem>>) dst(%dma_wait3A_159 : memref<48x448xf32, #tpu.memory_space<hbm>>)
    return
  }
}

</mosaic_0001>

<sc_bundles>
// kernel: kernel.3.cloned.1.call-start
scs
__scs_entry_jumppad:
0x0: {  	(pc) =	sbr.rel $0x88, $3  }
0x1: {  	(tag) =	ssettag $0x0;
	lr =	simm.s32 $0x1  }
0x2: {  	[smem:$0x3FA0] =	sst lr;
	_ =	strace $0xD0000000  }
0x3: {  	_ = 	snop  }
0x4: {  	_ = 	snop  }
0x5: {  	_ = 	snop  }
0x6: {  	_ = 	snop  }
0x7: {  	_ = 	snop  }
__scs_overlays_trampoline_lowered:
0x8: {  	[smem:$0x3FAF] =	sst s0  }
0x9: {  	[smem:$0x3FB0] =	sst s1  }
0xa: {  	[smem:$0x3FB1] =	sst s2  }
0xb: {  	[smem:$0x3FB2] =	sst s3  }
0xc: {  	[smem:$0x3FB3] =	sst s4  }
0xd: {  	[smem:$0x3FB4] =	sst s5  }
0xe: {  	[smem:$0x3FB5] =	sst s6  }
0xf: {  	[smem:$0x3FB6] =	sst s7  }
0x10: {  	[smem:$0x3FB7] =	sst s8  }
0x11: {  	[smem:$0x3FB8] =	sst s9;
	s0 =	simm.s32 @!p0 $0x0  }
0x12: {  	s1 =	sld [smem:$0x3F9E];
	s0 =	simm.s32 @p0 $0x1  }
0x13: {  	[smem:$0x3FB9] =	sst s0;
	s0 =	simm.s32 @!p1 $0x0  }
0x14: {  	s2 =	sld [smem:$0x3F9D];
	s0 =	simm.s32 @p1 $0x1  }
0x15: {  	[smem:$0x3FBA] =	sst s0;
	s0 =	simm.s32 @!p2 $0x0  }
0x16: {  	s3 =	sld [smem:$0x3FDB];
	s0 =	simm.s32 @p2 $0x1  }
0x17: {  	s4 =	simm.s32 $0x1BF5;
	[smem:$0x3FBC] =	sst s0  }
0x18: {  	s0 =	sld [smem:$0x3F9F];
	_ =	swait.ge [sflag:s4], $0x0  }
0x19: {  	s7 =	sld [smem:$0x3FA0]  }
0x1a: {  	s8 =	sadd.s32 $0xFFFFE003, lr  }
0x1b: {  	s9 =	sadd.s32 $0xFFFFFEF7, lr;
	s5 =	simm.s32 $0xFFFFFFFF;
	p2 =	slt.u32 s8, $0xFFFFF086  }
0x1c: {  	p1 =	slt.u32 s9, $0xF7A;
	s5 =	simm.s32 @!p2 $0x0  }
0x1d: {  	s5 =	simm.s32 @p1 $0x1;
	p0 =	seq.s32 s7, s2  }
0x1e: {  	s7 =	smul.u32 @!p0 $0xF7A, s2;
	p2 =	seq.s32 @!p0 s5, $0x0  }
0x1f: {  	s9 =	smul.u32 $0xF7A, s1;
	s8 =	simm.s32 @!p0 $0x1BF5;
	p2 =	por !p2, p0  }
0x20: {  	[sflag:s8] =	ssyncset.s32 @!p0 $0xFFFFF086;
	s6 =	sadd.s32 @!p0 s3, s7;
	s7 =	simm.s32 @!p0 $0x108  }
0x21: {  	s3 =	sadd.s32 s3, s9;
	s6 =	sadd.s32 @!p0 $0x88, s6;
	s7 =	simm.s32 @p2 $0x1082  }
0x22: {  	[simem:s7], [sflag:s8] =	dma.local @!p0 [hbm:s6], $0xF7A  }
0x23: {  	s9 =	sor.u32 $0xD0000000, s2;
	s6 =	simm.s32 $0x108;
	_ =	swait.ge @!p0 [sflag:s8], $0x0  }
0x24: {  	s3 =	sadd.s32 $0x88, s3;
	s6 =	simm.s32 @!p1 $0x1082;
	[sflag:s4] =	ssyncset.s32 $0xFFFFF086  }
0x25: {  	[simem:s6], [sflag:s4] =	dma.local [hbm:s3], $0xF7A  }
0x26: {  	[smem:$0x3FA0] =	sst s1;
	(tag) =	ssettag s2;
	_ =	strace s9  }
0x27: {  	s1 =	sld [smem:$0x3FB0]  }
0x28: {  	s2 =	sld [smem:$0x3FB1]  }
0x29: {  	s4 =	sld [smem:$0x3FB3]  }
0x2a: {  	p0 =	seq.s32 s5, $0x0;
	s5 =	sld [smem:$0x3FB4]  }
0x2b: {  	s6 =	sld [smem:$0x3FB5]  }
0x2c: {  	s7 =	sld [smem:$0x3FB6]  }
0x2d: {  	s3 =	simm.s32 $0x108;
	s8 =	sld [smem:$0x3FB7]  }
0x2e: {  	s3 =	simm.s32 @!p0 $0x1082;
	s9 =	sld [smem:$0x3FB8]  }
0x2f: {  	lr =	sadd.s32 s0, s3;
	s0 =	sld [smem:$0x3FAF]  }
0x30: {  	s3 =	sld [smem:$0x3FB2]  }
0x31: {  	[smem:$0x3FBB] =	sst s10  }
0x32: {  	s10 =	sld [smem:$0x3FB9];
	_ =	sdelay $0x3  }
0x33: {  	p0 =	seq.s32 s10, $0x1;
	s10 =	sld [smem:$0x3FBB];
	_ =	sdelay $0x3  }
0x34: {  	[smem:$0x3FBB] =	sst s10  }
0x35: {  	s10 =	sld [smem:$0x3FBA];
	_ =	sdelay $0x3  }
0x36: {  	p1 =	seq.s32 s10, $0x1;
	s10 =	sld [smem:$0x3FBB];
	_ =	sdelay $0x3  }
0x37: {  	[smem:$0x3FBB] =	sst s10  }
0x38: {  	s10 =	sld [smem:$0x3FBC]  }
0x39: {  	_ = 	snop;
	(pc) =	sbr.ind lr, $3  }
0x3a: {  	_ = 	snop  }
0x3b: {  	_ = 	snop  }
0x3c: {  	p2 =	seq.s32 s10, $0x1;
	s10 =	sld [smem:$0x3FBB]  }
0x3d: {  	_ =	shalt  }
0x3e: {  	_ =	shalt  }
0x3f: {  	_ =	shalt  }
0x40: {  	_ =	shalt  }
0x41: {  	_ =	shalt  }
0x42: {  	_ =	shalt  }
0x43: {  	_ =	shalt  }
0x44: {  	_ =	shalt  }
0x45: {  	_ =	shalt  }
0x46: {  	_ =	shalt  }
0x47: {  	_ =	shalt  }
0x48: {  	_ =	shalt  }
0x49: {  	_ =	shalt  }
0x4a: {  	_ =	shalt  }
0x4b: {  	_ =	shalt  }
0x4c: {  	_ =	shalt  }
0x4d: {  	_ =	shalt  }
0x4e: {  	_ =	shalt  }
0x4f: {  	_ =	shalt  }
0x50: {  	_ =	shalt  }
0x51: {  	_ =	shalt  }
0x52: {  	_ =	shalt  }
0x53: {  	_ =	shalt  }
0x54: {  	_ =	shalt  }
0x55: {  	_ =	shalt  }
0x56: {  	_ =	shalt  }
0x57: {  	_ =	shalt  }
0x58: {  	_ =	shalt  }
0x59: {  	_ =	shalt  }
0x5a: {  	_ =	shalt  }
0x5b: {  	_ =	shalt  }
0x5c: {  	_ =	shalt  }
0x5d: {  	_ =	shalt  }
0x5e: {  	_ =	shalt  }
0x5f: {  	_ =	shalt  }
0x60: {  	_ =	shalt  }
0x61: {  	_ =	shalt  }
0x62: {  	_ =	shalt  }
0x63: {  	_ =	shalt  }
0x64: {  	_ =	shalt  }
0x65: {  	_ =	shalt  }
0x66: {  	_ =	shalt  }
0x67: {  	_ =	shalt  }
0x68: {  	_ =	shalt  }
0x69: {  	_ =	shalt  }
0x6a: {  	_ =	shalt  }
0x6b: {  	_ =	shalt  }
0x6c: {  	_ =	shalt  }
0x6d: {  	_ =	shalt  }
0x6e: {  	_ =	shalt  }
0x6f: {  	_ =	shalt  }
0x70: {  	_ =	shalt  }
0x71: {  	_ =	shalt  }
0x72: {  	_ =	shalt  }
0x73: {  	_ =	shalt  }
0x74: {  	_ =	shalt  }
0x75: {  	_ =	shalt  }
0x76: {  	_ =	shalt  }
0x77: {  	_ =	shalt  }
0x78: {  	_ =	shalt  }
0x79: {  	_ =	shalt  }
0x7a: {  	_ =	shalt  }
0x7b: {  	_ =	shalt  }
0x7c: {  	_ =	shalt  }
0x7d: {  	_ =	shalt  }
0x7e: {  	_ =	shalt  }
0x7f: {  	_ =	shalt  }
0x80: {  	_ =	shalt  }
0x81: {  	_ =	shalt  }
0x82: {  	_ =	shalt  }
0x83: {  	_ =	shalt  }
0x84: {  	_ =	shalt  }
0x85: {  	_ =	shalt  }
0x86: {  	_ =	shalt  }
0x87: {  	_ =	shalt  }
.Lfunc_end0:
.L_simem_size_0:
called_computation_lowered:
.L_overlay_start_0:
0x88: {  	s2 =	sld [smem:$0x3FD9]  }
0x89: {  	s3 =	sld [smem:$0x3FFE];
	_ =	sdelay $0x1  }
0x8a: {  	s1 =	srdreg.scid  }
0x8b: {  	s0 =	sand.u32 $0x1, s1  }
0x8c: {  	s17 =	sshll.u32 s0, $0xA;
	s2 =	sadd.s32 s3, s2  }
0x8d: {  	s2 =	sadd.s32 s2, s17  }
0x8e: {  	[smem:$0x3FC7] =	sst s2  }
0x8f: {  	_ = 	snop  }
0x90: {  	s2 =	sld [smem:$0x3FD0];
	(tm) =	ssettm $0x1  }
0x91: {  	s18 =	sld [smem:$0x3FFB];
	_ =	sdelay $0x3  }
0x92: {  	_ =	strace s18  }
0x93: {  	s3 =	sld [smem:$0x3FFC];
	_ =	sdelay $0x3  }
0x94: {  	_ =	strace s3  }
0x95: {  	s3 =	sld [smem:$0x3FFD];
	_ =	sdelay $0x3  }
0x96: {  	_ =	strace s3  }
0x97: {  	_ =	strace $0x8FFFFFFF  }
0x98: {  	s19 =	sld [smem:$0x3FDB];
	_ =	sdelay $0x1  }
0x99: {  	s4 =	simm.s32 $_scs_section_size  }
0x9a: {  	s5 =	simm.s32 $_size__tile_overlayer_lowered;
	s6 =	simm.s32 $_tile_overlayer_lowered  }
0x9b: {  	s22 =	simm.s32 $0x1BFF;
	s21 =	sshll.u32 s6, $0x1;
	s3 =	sadd.s32 s4, s19  }
0x9c: {  	s7 =	simm.s32 $0x0;
	s20 =	sshll.u32 s5, $0x1;
	s5 =	sadd.s32 s21, s3  }
0x9d: {  	[timem:s7], [sflag:s22] =	dma.local [hbm:s5], s20  }
0x9e: {  	_ =	swait.ge [sflag:s22], s20  }
0x9f: {  	s4 =	ssub.s32 $0x0, s20;
	[sflag:s22] =	ssyncset.done $0x0  }
0xa0: {  	[sflag:s22] =	ssyncadd.s32 s4;
	_ =	sdelay $0x1  }
0xa1: {  	s23 =	simm.s32 $0x1B8B  }
0xa2: {  	_ =	swait.ge [sflag:s23], $0x1  }
0xa3: {  	[sflag:s23] =	ssyncset.done $0x0  }
0xa4: {  	s25 =	simm.s32 $0x1B8E;
	s24 =	sld [smem:$0x3FFE];
	[sflag:s23] =	ssyncadd.s32 $0xFFFFFFFF  }
0xa5: {  	s26 =	simm.s32 $execute0_lowered;
	[smem:$0x3FD2] =	sst s25  }
0xa6: {  	s5 =	sshll.u32 s26, $0x1;
	_ =	strace $0x80000046;
	[dreg:$0x1] =	wrdreg $0xFFFFFFFF  }
0xa7: {  	s28 =	simm.s32 $_size_execute0_lowered;
	s3 =	sadd.s32 s3, s5;
	[dreg:$0x0] =	wrdreg $0x0  }
0xa8: {  	s5 =	sshll.u32 s28, $0x1;
	[dreg:$0x2] =	wrdreg s3  }
0xa9: {  	[dreg:$0x3] =	wrdreg s5  }
0xaa: {  	[dreg:$0x4] =	wrdreg $0xC0  }
0xab: {  	_ =	task [dreg:s7], $0x5FFFF  }
0xac: {  	[dreg:$0x1] =	wrdreg $0xFFFFFFFF  }
0xad: {  	[dreg:$0x0] =	wrdreg $0x60  }
0xae: {  	[dreg:$0x2] =	wrdreg s2  }
0xaf: {  	[dreg:$0x3] =	wrdreg s24  }
0xb0: {  	[dreg:$0x4] =	wrdreg $0x9  }
0xb1: {  	_ =	task.clear_ibuf [dreg:s7], $0x5FFFF;
	_ =	strace $0x90000046  }
0xb2: {  	s29 =	simm.s32 $0x9;
	_ =	strace $0x80000048  }
0xb3: {  	_ =	swait.ge [sflag:s29], $0x1  }
0xb4: {  	[sflag:s29] =	ssyncadd.s32 $0xFFFFFFFF  }
0xb5: {  	_ =	strace $0x90000048  }
0xb6: {  	_ =	sfence  }
0xb7: {  	s30 =	sld [smem:$0x0];
	_ =	sdelay $0x2  }
0xb8: {  	s31 =	sshll.u32 s1, $0xD;
	s1 =	sshrl.u32 s1, $0x2  }
0xb9: {  	s3 =	sand.u32 $0x4000, s31;
	s1 =	sadd.s32 s1, s30  }
0xba: {  	s0 =	sor.u32 s3, s0;
	s1 =	sshll.u32 s1, $0x11  }
0xbb: {  	s0 =	sor.u32 s1, s0  }
0xbc: {  	s0 =	sadd.s32 $0x8F2B, s0  }
0xbd: {  	[sflag:s0] =	ssyncadd.remote.s32 $0x1  }
0xbe: {  	_ =	sfence.sel $0xFFFF  }
0xbf: {  	[dreg:$0x0] =	wrdreg $0xFFFFFFFF;
	(pc) =	sbr.abs _section_cstart, $3  }
0xc0: {  	[dreg:$0x1] =	wrdreg $0xFFFFFFFF  }
0xc1: {  	_ =	task.clear_ibuf [dreg:s7], $0x2FFFF;
	_ =	strace $0x9FFFFFFF  }
0xc2: {  	(tm) =	ssettm $0x7FFFFFFF  }
0xc3: {  	_ =	shalt  }
tec
execute0_lowered:
.L_overlay_start_1:
0x0: {  	(tag) =	ssettag $0x1  }
0x1: {  	s1 =	srdreg.scid;
	s0 =	stileid.u32  }
0x2: {  	s5 =	sand.u32 $0x1, s1;
	s25 =	sshll.u32 s0, $0x1;
	s2 =	sshrl.u32 s0, $0x2  }
0x3: {  	s1 =	sor.u32 s5, s25;
	s3 =	smul.u32 $0xFFFFFE40, s2  }
0x4: {  	s1 =	smul.u32 $0x38, s1;
	_ =	sdelay $0x1  }
0x5: {  	s3 =	sadd.s32 s3, s1  }
0x6: {  	s4 =	smul.u32 $0xDF, s3;
	_ =	sdelay $0x1  }
0x7: {  	s6 =	smulhi.u32 $0x929CEBF5, s4;
	s7 =	sshra.s32 s4, $0x1F  }
0x8: {  	s8 =	smul.u32 $0x929CEBF5, s7  }
0x9: {  	s6 =	ssub.s32 s6, s4  }
0xa: {  	s6 =	sadd.s32 s8, s6  }
0xb: {  	s6 =	sadd.s32 s4, s6  }
0xc: {  	s26 =	sshrl.u32 s6, $0x1F;
	s6 =	sshra.s32 s6, $0x8  }
0xd: {  	p0 =	sne.s32 s3, $0x0;
	s3 =	simm.s32 $0x1;
	s6 =	sadd.s32 s26, s6  }
0xe: {  	s3 =	simm.s32 @!p0 $0x0;
	s8 =	smul.u32 $0xFFFFFE41, s6  }
0xf: {  	s3 =	sor.u32 s3, s7;
	s4 =	ssub.s32 $0x0, s4  }
0x10: {  	p6 =	sne.s32 s3, $0x1;
	p1 =	sne.s32 s8, s4  }
0x11: {  	p0 =	por !p1, !p6  }
0x12: {  	s4 =	simm.s32 $0x1;
	p0 =	por !p0, !p0  }
0x13: {  	s28 =	rddreg [dreg:$0x1];
	s11 =	simm.s32 $0x15000;
	s4 =	simm.s32 @!p0 $0x0  }
0x14: {  	s12 =	simm.s32 $0x1A700;
	s13 =	simm.s32 $0x2;
	s6 =	ssub.s32 s6, s4  }
0x15: {  	s14 =	simm.s32 $0x0;
	s29 =	smul.u32 $0x498000, s2;
	p0 =	slt.s32 s6, $0xDE  }
0x16: {  	v2 =	vlaneseq.u32;
	s2 =	rddreg [dreg:$0x2];
	s9 =	ssub.s32 $0x2, s5;
	s6 =	simm.s32 @!p0 $0xDE  }
0x17: {  	v0 =	vmul.u32 $0xE8, v2;
	s5 =	sadd.s32 $0x400, s28;
	s10 =	sshrl.u32 s9, $0x1;
	s6 =	smul.u32 $0xE0, s6  }
0x18: {  	s30 =	ssub.s32 s9, s10;
	s9 =	simm.s32 $0x1C0;
	s10 =	simm.s32 $0xC400  }
0x19: {  	v2 =	vmul.u32 $0x1C8, v2;
	v1 =	vadd.s32 $0xE80, v0;
	s3 =	rddreg [dreg:$0x0];
	s4 =	simm.s32 $0x0;
	s6 =	sadd.s32 s29, s6  }
0x1a: {  	v3 =	vadd.s32 $0x1D00, v0;
	v4 =	vadd.s32 $0x2B80, v0;
	v5 =	vadd.s32 $0x3A00, v0;
	s8 =	smax.u32 s30, $0x1;
	[smem:$0x7FF] =	sst s4;
	s31 =	sshrl.u32 s6, $0x3  }
0x1b: {  	v6 =	vadd.s32 $0x4880, v0;
	v7 =	vadd.s32 $0x1C80, v2;
	v8 =	vadd.s32 $0x3900, v2;
	_ =	strace $0x80000047;
	s6 =	simm.s32 $0x1;
	s7 =	sadd.s32 s3, s31  }
.LBB2_1:
0x1c: {  	[tilespmem:s4], [sflag:$0x1] =	stream.strided.gather [hbm4b:s7+s9], $0xA800, s10, s9, $0x38;
	[tilespmem:$0x1FC80] =	vst v63  }
0x1d: {  	p0 =	por $0x0, $0x0;
	s15 =	simm.s32 $0x0  }
.LBB2_3:
0x1e: {  	s18 =	smov.u32 s15  }
0x1f: {  	s17 =	sadd.s32 s1, s15;
	s15 =	sadd.s32 $0x1, s15;
	p1 =	seq.s32 s18, $0x37  }
0x20: {  	s20 =	sadd.s32 @!p1 s1, s15  }
0x21: {  	s19 =	sshrl.u32 @!p1 s20, $0x6  }
0x22: {  	s16 =	sshrl.u32 s17, $0x6;
	s21 =	smulhi.u32 @!p1 $0x24924925, s19  }
0x23: {  	s16 =	smulhi.u32 $0x24924925, s16  }
0x24: {  	s19 =	simm.s32 $0x1;
	s23 =	smul.u32 @!p1 $0xFFFFFE40, s21  }
0x25: {  	s22 =	smul.u32 $0xFFFFFE40, s16;
	s19 =	simm.s32 @!p0 $0x0  }
0x26: {  	s24 =	smul.u32 $0x2A000, s19;
	s20 =	sadd.s32 @!p1 s20, s23  }
0x27: {  	s17 =	sadd.s32 s17, s22;
	s22 =	smul.u32 @!p1 $0xDF, s20  }
0x28: {  	s19 =	smul.u32 $0xDF, s17  }
0x29: {  	s25 =	smulhi.u32 @!p1 $0x929CEBF5, s22;
	s26 =	sshra.s32 @!p1 s22, $0x1F  }
0x2a: {  	s29 =	smul.u32 @!p1 $0x929CEBF5, s26  }
0x2b: {  	_ =	swait.ge [sflag:s6], $0xA800;
	s21 =	smul.u32 @!p1 $0x498000, s21;
	s25 =	ssub.s32 @!p1 s25, s22  }
0x2c: {  	[sflag:s6] =	ssyncset.done $0x0;
	s31 =	smulhi.u32 $0x929CEBF5, s19;
	s25 =	sadd.s32 @!p1 s29, s25  }
0x2d: {  	s28 =	sshra.s32 s19, $0x1F;
	p2 =	sne.s32 @!p1 s20, $0x0;
	s25 =	sadd.s32 @!p1 s22, s25  }
0x2e: {  	s30 =	smul.u32 $0x929CEBF5, s28;
	s29 =	sshrl.u32 @!p1 s25, $0x1F;
	s25 =	sshra.s32 @!p1 s25, $0x8  }
0x2f: {  	p2 =	por !p2, p1;
	s20 =	sadd.s32 @!p1 s29, s25;
	s25 =	simm.s32 @!p1 $0x1  }
0x30: {  	s23 =	ssub.s32 s31, s19;
	s25 =	simm.s32 @p2 $0x0;
	s29 =	smul.u32 @!p1 $0xFFFFFE41, s20  }
0x31: {  	s23 =	sadd.s32 s30, s23;
	s22 =	ssub.s32 @!p1 $0x0, s22;
	s25 =	sor.u32 @!p1 s25, s26  }
0x32: {  	s23 =	sadd.s32 s19, s23;
	p2 =	sne.s32 @!p1 s25, $0x1;
	p3 =	sne.s32 @!p1 s29, s22  }
0x33: {  	s31 =	sshrl.u32 s23, $0x1F;
	s23 =	sshra.s32 s23, $0x8;
	p2 =	por @!p1 !p3, !p2  }
0x34: {  	s24 =	sshrl.u32 s24, $0x2;
	s23 =	sadd.s32 s31, s23;
	p2 =	por @!p1 !p2, !p2  }
0x35: {  	s31 =	sor.u32 $0x1C0, s24;
	s26 =	simm.s32 @!p1 $0x1;
	p2 =	por !p2, p1  }
0x36: {  	s22 =	simm.s32 $0x1;
	p3 =	sne.s32 s17, $0x0;
	s26 =	simm.s32 @p2 $0x0  }
0x37: {  	s30 =	smul.u32 $0xFFFFFE41, s23;
	s22 =	simm.s32 @!p3 $0x0;
	s20 =	ssub.s32 @!p1 s20, s26  }
0x38: {  	s22 =	sor.u32 s22, s28;
	s28 =	ssub.s32 $0x0, s19;
	p3 =	slt.s32 @!p1 s20, $0xDE  }
0x39: {  	p5 =	sne.s32 s22, $0x1;
	p6 =	sne.s32 s30, s28;
	p3 =	por !p3, p1  }
0x3a: {  	s24 =	simm.s32 $0x1;
	p2 =	por !p6, !p5;
	s20 =	simm.s32 @p3 $0xDE  }
0x3b: {  	s22 =	sand.u32 $0x1, s18;
	p2 =	por !p2, !p2;
	s20 =	smul.u32 @!p1 $0xE0, s20  }
0x3c: {  	[sflag:s6] =	ssyncadd.s32 $0xFFFF5800;
	s22 =	sxor.u32 @!p1 $0x1, s22;
	s24 =	simm.s32 @!p2 $0x0  }
0x3d: {  	s22 =	smul.u32 @!p1 $0x2A000, s22;
	s23 =	ssub.s32 s23, s24;
	s20 =	sadd.s32 @!p1 s21, s20  }
0x3e: {  	s25 =	simm.s32 @!p1 $0xC400;
	s24 =	smul.u32 $0xFFFFFE41, s23;
	s20 =	sshrl.u32 @!p1 s20, $0x3  }
0x3f: {  	s21 =	sshrl.u32 @!p1 s22, $0x2;
	s22 =	simm.s32 @!p1 $0x1C0;
	s20 =	sadd.s32 @!p1 s3, s20  }
0x40: {  	[tilespmem:s21], [sflag:$0x1] =	stream.strided.gather @!p1 [hbm4b:s20+s22], $0xA800, s25, s22, $0x38;
	[tilespmem:$0x1FC80] =	vst v63  }
0x41: {  	s19 =	sadd.s32 s19, s24;
	p1 =	slt.s32 s23, $0xDE;
	s20 =	smov.u32 s23;
	v10 =	vld [tilespmem:s31+$0x0]  }
0x42: {  	s19 =	scvt.s32.f32 s19;
	s20 =	simm.s32 @!p1 $0xDE;
	v9 =	vld [tilespmem:s31+$0xE0]  }
0x43: {  	s20 =	ssub.s32 s23, s20  }
0x44: {  	s19 =	smul.f32 $2.237136480e-03, s19;
	s20 =	scvt.s32.f32 s20  }
0x45: {  	_ = 	snop  }
0x46: {  	s19 =	sadd.f32 s20, s19  }
0x47: {  	v11 =	vsub.f32 v9, v10  }
0x48: {  	v9 =	vmov s19  }
0x49: {  	v11 =	vmul.f32 v11, v9;
	_ =	sdelay $0x1  }
0x4a: {  	v10 =	vadd.f32 v11, v10  }
0x4b: {  	s19 =	simm.s32 $0x150E8  }
0x4c: {  	[tilespmem:s19+$0x0] =	vst v10  }
0x4d: {  	v10 =	vld [tilespmem:s31+$0x10]  }
0x4e: {  	v11 =	vld [tilespmem:s31+$0xF0];
	_ =	sdelay $0x4  }
0x4f: {  	v12 =	vld [tilespmem:s31+$0xFFFFFF20];
	v11 =	vsub.f32 v11, v10  }
0x50: {  	v13 =	vld [tilespmem:s31+$0xFFFFFE40]  }
0x51: {  	v11 =	vmul.f32 v11, v9;
	_ =	sdelay $0x1  }
0x52: {  	v10 =	vadd.f32 v11, v10;
	_ =	sdelay $0x1  }
0x53: {  	v11 =	vsub.f32 v12, v13;
	[tilespmem:s19+$0x10] =	vst v10  }
0x54: {  	v10 =	vld [tilespmem:s31+$0x20]  }
0x55: {  	v11 =	vmul.f32 v11, v9;
	v12 =	vld [tilespmem:s31+$0x100];
	_ =	sdelay $0x1  }
0x56: {  	v11 =	vadd.f32 v11, v13;
	_ =	sdelay $0x1  }
0x57: {  	[tilespmem:s19+$0xFFFFFF18] =	vst v11  }
0x58: {  	v11 =	vld [tilespmem:s31+$0xFFFFFE50];
	v12 =	vsub.f32 v12, v10  }
0x59: {  	v13 =	vld [tilespmem:s31+$0xFFFFFF30]  }
0x5a: {  	v12 =	vmul.f32 v12, v9;
	_ =	sdelay $0x1  }
0x5b: {  	v10 =	vadd.f32 v12, v10;
	_ =	sdelay $0x1  }
0x5c: {  	v12 =	vsub.f32 v13, v11;
	[tilespmem:s19+$0x20] =	vst v10  }
0x5d: {  	v10 =	vld [tilespmem:s31+$0x30]  }
0x5e: {  	v12 =	vmul.f32 v12, v9;
	v13 =	vld [tilespmem:s31+$0x110];
	_ =	sdelay $0x1  }
0x5f: {  	v11 =	vadd.f32 v12, v11;
	_ =	sdelay $0x1  }
0x60: {  	[tilespmem:s19+$0xFFFFFF28] =	vst v11  }
0x61: {  	v11 =	vld [tilespmem:s31+$0xFFFFFE60];
	v12 =	vsub.f32 v13, v10  }
0x62: {  	v13 =	vld [tilespmem:s31+$0xFFFFFF40]  }
0x63: {  	v12 =	vmul.f32 v12, v9;
	_ =	sdelay $0x1  }
0x64: {  	v10 =	vadd.f32 v12, v10;
	_ =	sdelay $0x1  }
0x65: {  	v12 =	vsub.f32 v13, v11;
	[tilespmem:s19+$0x30] =	vst v10  }
0x66: {  	v10 =	vld [tilespmem:s31+$0x40]  }
0x67: {  	v12 =	vmul.f32 v12, v9;
	v13 =	vld [tilespmem:s31+$0x120];
	_ =	sdelay $0x1  }
0x68: {  	s21 =	sadd.s32 $0x380, s31;
	v11 =	vadd.f32 v12, v11  }
0x69: {  	v12 =	vld [tilespmem:s21+$0x0]  }
0x6a: {  	[tilespmem:s19+$0xFFFFFF38] =	vst v11;
	v11 =	vld [tilespmem:s21+$0xE0]  }
0x6b: {  	v14 =	vld [tilespmem:s31+$0xFFFFFE70];
	v13 =	vsub.f32 v13, v10  }
0x6c: {  	v15 =	vld [tilespmem:s31+$0xFFFFFF50]  }
0x6d: {  	v13 =	vmul.f32 v13, v9;
	_ =	sdelay $0x1  }
0x6e: {  	v11 =	vsub.f32 v11, v12;
	v10 =	vadd.f32 v13, v10;
	_ =	sdelay $0x1  }
0x6f: {  	v13 =	vsub.f32 v15, v14;
	v11 =	vmul.f32 v11, v9;
	[tilespmem:s19+$0x40] =	vst v10  }
0x70: {  	v10 =	vld [tilespmem:s31+$0x50]  }
0x71: {  	v13 =	vmul.f32 v13, v9;
	v11 =	vadd.f32 v11, v12;
	v12 =	vld [tilespmem:s31+$0x130]  }
0x72: {  	s20 =	simm.s32 $0x152B8;
	v15 =	vld [tilespmem:s21+$0xFFFFFF20]  }
0x73: {  	v13 =	vadd.f32 v13, v14;
	v14 =	vld [tilespmem:s21+$0xFFFFFE40];
	[tilespmem:s20+$0x0] =	vst v11  }
0x74: {  	v11 =	vld [tilespmem:s21+$0x10]  }
0x75: {  	[tilespmem:s19+$0xFFFFFF48] =	vst v13;
	v13 =	vld [tilespmem:s21+$0xF0]  }
0x76: {  	v16 =	vld [tilespmem:s31+$0xFFFFFE80];
	v12 =	vsub.f32 v12, v10  }
0x77: {  	v17 =	vld [tilespmem:s31+$0xFFFFFF60]  }
0x78: {  	v15 =	vsub.f32 v15, v14;
	v12 =	vmul.f32 v12, v9;
	_ =	sdelay $0x1  }
0x79: {  	v15 =	vmul.f32 v15, v9;
	v13 =	vsub.f32 v13, v11;
	v10 =	vadd.f32 v12, v10;
	_ =	sdelay $0x1  }
0x7a: {  	v12 =	vadd.f32 v15, v14;
	v14 =	vsub.f32 v17, v16;
	v13 =	vmul.f32 v13, v9;
	[tilespmem:s19+$0x50] =	vst v10  }
0x7b: {  	v10 =	vld [tilespmem:s31+$0x60]  }
0x7c: {  	[tilespmem:s20+$0xFFFFFF18] =	vst v12;
	v12 =	vmul.f32 v14, v9;
	v11 =	vadd.f32 v13, v11;
	v13 =	vld [tilespmem:s31+$0x140]  }
0x7d: {  	v14 =	vld [tilespmem:s21+$0xFFFFFE50]  }
0x7e: {  	v15 =	vld [tilespmem:s21+$0xFFFFFF30];
	v12 =	vadd.f32 v12, v16;
	[tilespmem:s20+$0x10] =	vst v11  }
0x7f: {  	v11 =	vld [tilespmem:s21+$0x20]  }
0x80: {  	[tilespmem:s19+$0xFFFFFF58] =	vst v12;
	v12 =	vld [tilespmem:s21+$0x100]  }
0x81: {  	v16 =	vld [tilespmem:s31+$0xFFFFFE90];
	v13 =	vsub.f32 v13, v10  }
0x82: {  	v17 =	vld [tilespmem:s31+$0xFFFFFF70]  }
0x83: {  	v15 =	vsub.f32 v15, v14;
	v13 =	vmul.f32 v13, v9;
	_ =	sdelay $0x1  }
0x84: {  	v15 =	vmul.f32 v15, v9;
	v12 =	vsub.f32 v12, v11;
	v10 =	vadd.f32 v13, v10;
	_ =	sdelay $0x1  }
0x85: {  	v13 =	vadd.f32 v15, v14;
	v14 =	vsub.f32 v17, v16;
	v12 =	vmul.f32 v12, v9;
	[tilespmem:s19+$0x60] =	vst v10  }
0x86: {  	v10 =	vld [tilespmem:s31+$0x70]  }
0x87: {  	[tilespmem:s20+$0xFFFFFF28] =	vst v13;
	v13 =	vmul.f32 v14, v9;
	v11 =	vadd.f32 v12, v11;
	v12 =	vld [tilespmem:s31+$0x150]  }
0x88: {  	v14 =	vld [tilespmem:s21+$0xFFFFFE60]  }
0x89: {  	v15 =	vld [tilespmem:s21+$0xFFFFFF40];
	v13 =	vadd.f32 v13, v16;
	[tilespmem:s20+$0x20] =	vst v11  }
0x8a: {  	v11 =	vld [tilespmem:s21+$0x30]  }
0x8b: {  	[tilespmem:s19+$0xFFFFFF68] =	vst v13;
	v13 =	vld [tilespmem:s21+$0x110]  }
0x8c: {  	v16 =	vld [tilespmem:s31+$0xFFFFFEA0];
	v12 =	vsub.f32 v12, v10  }
0x8d: {  	v17 =	vld [tilespmem:s31+$0xFFFFFF80]  }
0x8e: {  	v15 =	vsub.f32 v15, v14;
	v12 =	vmul.f32 v12, v9;
	_ =	sdelay $0x1  }
0x8f: {  	v15 =	vmul.f32 v15, v9;
	v13 =	vsub.f32 v13, v11;
	v10 =	vadd.f32 v12, v10;
	_ =	sdelay $0x1  }
0x90: {  	v12 =	vadd.f32 v15, v14;
	v14 =	vsub.f32 v17, v16;
	v13 =	vmul.f32 v13, v9;
	[tilespmem:s19+$0x70] =	vst v10  }
0x91: {  	v10 =	vld [tilespmem:s31+$0x80]  }
0x92: {  	[tilespmem:s20+$0xFFFFFF38] =	vst v12;
	v12 =	vmul.f32 v14, v9;
	v11 =	vadd.f32 v13, v11;
	v13 =	vld [tilespmem:s31+$0x160]  }
0x93: {  	v14 =	vld [tilespmem:s21+$0xFFFFFE70]  }
0x94: {  	v15 =	vld [tilespmem:s21+$0xFFFFFF50];
	v12 =	vadd.f32 v12, v16;
	[tilespmem:s20+$0x30] =	vst v11  }
0x95: {  	v11 =	vld [tilespmem:s21+$0x40]  }
0x96: {  	[tilespmem:s19+$0xFFFFFF78] =	vst v12;
	v12 =	vld [tilespmem:s21+$0x120]  }
0x97: {  	v16 =	vld [tilespmem:s31+$0xFFFFFEB0];
	v13 =	vsub.f32 v13, v10  }
0x98: {  	s23 =	sadd.s32 $0x380, s21;
	v17 =	vld [tilespmem:s31+$0xFFFFFF90]  }
0x99: {  	v18 =	vld [tilespmem:s23+$0x0];
	v15 =	vsub.f32 v15, v14;
	v13 =	vmul.f32 v13, v9  }
0x9a: {  	v19 =	vld [tilespmem:s23+$0xE0]  }
0x9b: {  	v15 =	vmul.f32 v15, v9;
	v12 =	vsub.f32 v12, v11;
	v10 =	vadd.f32 v13, v10  }
0x9c: {  	v13 =	vld [tilespmem:s23+$0xFFFFFF20]  }
0x9d: {  	v14 =	vadd.f32 v15, v14;
	v15 =	vsub.f32 v17, v16;
	v17 =	vld [tilespmem:s23+$0xFFFFFE40];
	v12 =	vmul.f32 v12, v9;
	[tilespmem:s19+$0x80] =	vst v10  }
0x9e: {  	v10 =	vld [tilespmem:s31+$0x90]  }
0x9f: {  	[tilespmem:s20+$0xFFFFFF48] =	vst v14;
	v14 =	vmul.f32 v15, v9;
	v15 =	vsub.f32 v19, v18;
	v11 =	vadd.f32 v12, v11;
	v12 =	vld [tilespmem:s31+$0x170]  }
0xa0: {  	v19 =	vld [tilespmem:s21+$0xFFFFFE80]  }
0xa1: {  	v14 =	vadd.f32 v14, v16;
	v15 =	vmul.f32 v15, v9;
	v16 =	vld [tilespmem:s21+$0xFFFFFF60];
	[tilespmem:s20+$0x40] =	vst v11  }
0xa2: {  	v11 =	vsub.f32 v13, v17;
	v13 =	vld [tilespmem:s21+$0x50]  }
0xa3: {  	[tilespmem:s19+$0xFFFFFF88] =	vst v14;
	v14 =	vadd.f32 v15, v18;
	v15 =	vld [tilespmem:s21+$0x130]  }
0xa4: {  	s22 =	simm.s32 $0x15488;
	v11 =	vmul.f32 v11, v9;
	v18 =	vld [tilespmem:s31+$0xFFFFFEC0];
	v12 =	vsub.f32 v12, v10  }
0xa5: {  	[tilespmem:s22+$0x0] =	vst v14;
	v14 =	vld [tilespmem:s31+$0xFFFFFFA0]  }
0xa6: {  	v11 =	vadd.f32 v11, v17;
	v17 =	vld [tilespmem:s23+$0x10];
	v16 =	vsub.f32 v16, v19;
	v12 =	vmul.f32 v12, v9  }
0xa7: {  	v20 =	vld [tilespmem:s23+$0xF0]  }
0xa8: {  	[tilespmem:s22+$0xFFFFFF18] =	vst v11;
	v11 =	vmul.f32 v16, v9;
	v15 =	vsub.f32 v15, v13;
	v10 =	vadd.f32 v12, v10  }
0xa9: {  	v12 =	vld [tilespmem:s23+$0xFFFFFE50]  }
0xaa: {  	v16 =	vld [tilespmem:s23+$0xFFFFFF30];
	v11 =	vadd.f32 v11, v19;
	v15 =	vmul.f32 v15, v9;
	v14 =	vsub.f32 v14, v18;
	[tilespmem:s19+$0x90] =	vst v10  }
0xab: {  	v10 =	vld [tilespmem:s31+$0xA0]  }
0xac: {  	v19 =	vsub.f32 v20, v17;
	[tilespmem:s20+$0xFFFFFF58] =	vst v11;
	v11 =	vadd.f32 v15, v13;
	v13 =	vmul.f32 v14, v9;
	v14 =	vld [tilespmem:s31+$0x180]  }
0xad: {  	v15 =	vld [tilespmem:s21+$0xFFFFFE90]  }
0xae: {  	v19 =	vmul.f32 v19, v9;
	v20 =	vld [tilespmem:s21+$0xFFFFFF70];
	[tilespmem:s20+$0x50] =	vst v11;
	v11 =	vadd.f32 v13, v18  }
0xaf: {  	v13 =	vsub.f32 v16, v12;
	v16 =	vld [tilespmem:s21+$0x60]  }
0xb0: {  	v17 =	vadd.f32 v19, v17;
	v18 =	vld [tilespmem:s21+$0x140];
	[tilespmem:s19+$0xFFFFFF98] =	vst v11  }
0xb1: {  	v11 =	vmul.f32 v13, v9;
	v13 =	vld [tilespmem:s31+$0xFFFFFED0];
	v14 =	vsub.f32 v14, v10  }
0xb2: {  	[tilespmem:s22+$0x10] =	vst v17;
	v17 =	vld [tilespmem:s31+$0xFFFFFFB0]  }
0xb3: {  	v11 =	vadd.f32 v11, v12;
	v12 =	vld [tilespmem:s23+$0x20];
	v19 =	vsub.f32 v20, v15;
	v14 =	vmul.f32 v14, v9  }
0xb4: {  	v20 =	vld [tilespmem:s23+$0x100]  }
0xb5: {  	[tilespmem:s22+$0xFFFFFF28] =	vst v11;
	v11 =	vmul.f32 v19, v9;
	v18 =	vsub.f32 v18, v16;
	v10 =	vadd.f32 v14, v10  }
0xb6: {  	v14 =	vld [tilespmem:s23+$0xFFFFFE60]  }
0xb7: {  	v19 =	vld [tilespmem:s23+$0xFFFFFF40];
	v11 =	vadd.f32 v11, v15;
	v15 =	vmul.f32 v18, v9;
	v17 =	vsub.f32 v17, v13;
	[tilespmem:s19+$0xA0] =	vst v10  }
0xb8: {  	v10 =	vld [tilespmem:s31+$0xB0]  }
0xb9: {  	v18 =	vsub.f32 v20, v12;
	[tilespmem:s20+$0xFFFFFF68] =	vst v11;
	v11 =	vadd.f32 v15, v16;
	v15 =	vmul.f32 v17, v9;
	v16 =	vld [tilespmem:s31+$0x190]  }
0xba: {  	v17 =	vld [tilespmem:s21+$0xFFFFFEA0]  }
0xbb: {  	v18 =	vmul.f32 v18, v9;
	v20 =	vld [tilespmem:s21+$0xFFFFFF80];
	[tilespmem:s20+$0x60] =	vst v11;
	v11 =	vadd.f32 v15, v13  }
0xbc: {  	v13 =	vld [tilespmem:s21+$0x70]  }
0xbd: {  	v15 =	vsub.f32 v19, v14;
	v12 =	vadd.f32 v18, v12;
	v18 =	vld [tilespmem:s21+$0x150];
	[tilespmem:s19+$0xFFFFFFA8] =	vst v11  }
0xbe: {  	v11 =	vld [tilespmem:s31+$0xFFFFFEE0];
	v16 =	vsub.f32 v16, v10  }
0xbf: {  	v15 =	vmul.f32 v15, v9;
	[tilespmem:s22+$0x20] =	vst v12;
	v12 =	vld [tilespmem:s31+$0xFFFFFFC0]  }
0xc0: {  	v19 =	vld [tilespmem:s23+$0x30];
	v16 =	vmul.f32 v16, v9  }
0xc1: {  	v14 =	vadd.f32 v15, v14;
	v15 =	vsub.f32 v20, v17;
	v20 =	vld [tilespmem:s23+$0x110]  }
0xc2: {  	v18 =	vsub.f32 v18, v13;
	v10 =	vadd.f32 v16, v10  }
0xc3: {  	[tilespmem:s22+$0xFFFFFF38] =	vst v14;
	v14 =	vmul.f32 v15, v9  }
0xc4: {  	v15 =	vld [tilespmem:s23+$0xFFFFFE70];
	v16 =	vmul.f32 v18, v9;
	[tilespmem:s19+$0xB0] =	vst v10  }
0xc5: {  	v12 =	vsub.f32 v12, v11;
	v10 =	vadd.f32 v14, v17;
	v14 =	vld [tilespmem:s31+$0xC0]  }
0xc6: {  	v17 =	vsub.f32 v20, v19;
	v13 =	vadd.f32 v16, v13;
	v16 =	vld [tilespmem:s31+$0x1A0]  }
0xc7: {  	v18 =	vld [tilespmem:s23+$0xFFFFFF50];
	[tilespmem:s20+$0xFFFFFF78] =	vst v10;
	v10 =	vmul.f32 v12, v9  }
0xc8: {  	v12 =	vmul.f32 v17, v9;
	v20 =	vld [tilespmem:s21+$0xFFFFFEB0];
	[tilespmem:s20+$0x70] =	vst v13  }
0xc9: {  	v10 =	vadd.f32 v10, v11;
	v13 =	vld [tilespmem:s21+$0x80]  }
0xca: {  	v11 =	vadd.f32 v12, v19;
	v12 =	vld [tilespmem:s21+$0x160]  }
0xcb: {  	v17 =	vld [tilespmem:s21+$0xFFFFFF90];
	[tilespmem:s19+$0xFFFFFFB8] =	vst v10;
	v10 =	vsub.f32 v16, v14  }
0xcc: {  	[tilespmem:s22+$0x30] =	vst v11;
	v16 =	vld [tilespmem:s31+$0xFFFFFEF0]  }
0xcd: {  	v19 =	vld [tilespmem:s23+$0x40];
	v10 =	vmul.f32 v10, v9  }
0xce: {  	v21 =	vld [tilespmem:s23+$0x120]  }
0xcf: {  	s24 =	sadd.s32 $0x380, s23;
	v22 =	vld [tilespmem:s31+$0xFFFFFFD0];
	v11 =	vsub.f32 v12, v13;
	v10 =	vadd.f32 v10, v14  }
0xd0: {  	v12 =	vsub.f32 v18, v15;
	v18 =	vld [tilespmem:s24+$0xE0]  }
0xd1: {  	v14 =	vld [tilespmem:s24+$0x0];
	v23 =	vmul.f32 v11, v9;
	[tilespmem:s19+$0xC0] =	vst v10  }
0xd2: {  	v11 =	vld [tilespmem:s31+$0xD0]  }
0xd3: {  	v10 =	vmul.f32 v12, v9;
	v21 =	vsub.f32 v21, v19;
	v13 =	vadd.f32 v23, v13;
	v12 =	vld [tilespmem:s31+$0x1B0]  }
0xd4: {  	v23 =	vld [tilespmem:s24+$0xFFFFFF20]  }
0xd5: {  	v10 =	vadd.f32 v10, v15;
	v15 =	vsub.f32 v17, v20;
	v17 =	vld [tilespmem:s24+$0xFFFFFE40];
	v21 =	vmul.f32 v21, v9;
	[tilespmem:s20+$0x80] =	vst v13  }
0xd6: {  	v13 =	vld [tilespmem:s21+$0x90]  }
0xd7: {  	[tilespmem:s22+$0xFFFFFF48] =	vst v10;
	v10 =	vmul.f32 v15, v9;
	v15 =	vsub.f32 v18, v14;
	v18 =	vadd.f32 v21, v19;
	v19 =	vld [tilespmem:s21+$0x170]  }
0xd8: {  	v21 =	vld [tilespmem:s23+$0xFFFFFE80]  }
0xd9: {  	v10 =	vadd.f32 v10, v20;
	v20 =	vsub.f32 v22, v16;
	v15 =	vmul.f32 v15, v9;
	v22 =	vld [tilespmem:s23+$0xFFFFFF60];
	[tilespmem:s22+$0x40] =	vst v18  }
0xda: {  	v18 =	vsub.f32 v23, v17;
	v23 =	vld [tilespmem:s23+$0x50]  }
0xdb: {  	[tilespmem:s20+$0xFFFFFF88] =	vst v10;
	v10 =	vmul.f32 v20, v9;
	v14 =	vadd.f32 v15, v14;
	v15 =	vld [tilespmem:s23+$0x130]  }
0xdc: {  	s25 =	simm.s32 $0x15658;
	v18 =	vmul.f32 v18, v9;
	v20 =	vld [tilespmem:s21+$0xFFFFFEC0];
	v19 =	vsub.f32 v19, v13  }
0xdd: {  	v10 =	vadd.f32 v10, v16;
	[tilespmem:s25+$0x0] =	vst v14;
	v14 =	vld [tilespmem:s21+$0xFFFFFFA0]  }
0xde: {  	v16 =	vadd.f32 v18, v17;
	v17 =	vld [tilespmem:s24+$0x10];
	v18 =	vsub.f32 v22, v21;
	v19 =	vmul.f32 v19, v9  }
0xdf: {  	[tilespmem:s19+$0xFFFFFFC8] =	vst v10;
	v10 =	vld [tilespmem:s24+$0xF0]  }
0xe0: {  	[tilespmem:s25+$0xFFFFFF18] =	vst v16;
	v16 =	vmul.f32 v18, v9;
	v15 =	vsub.f32 v15, v23;
	v13 =	vadd.f32 v19, v13;
	v18 =	vld [tilespmem:s31+$0xFFFFFF00]  }
0xe1: {  	v19 =	vld [tilespmem:s24+$0xFFFFFE50]  }
0xe2: {  	v22 =	vld [tilespmem:s24+$0xFFFFFF30];
	v16 =	vadd.f32 v16, v21;
	v15 =	vmul.f32 v15, v9;
	v14 =	vsub.f32 v14, v20;
	[tilespmem:s20+$0x90] =	vst v13  }
0xe3: {  	v13 =	vld [tilespmem:s21+$0xA0]  }
0xe4: {  	v10 =	vsub.f32 v10, v17;
	[tilespmem:s22+$0xFFFFFF58] =	vst v16;
	v15 =	vadd.f32 v15, v23;
	v14 =	vmul.f32 v14, v9;
	v16 =	vld [tilespmem:s21+$0x180]  }
0xe5: {  	v21 =	vld [tilespmem:s23+$0xFFFFFE90]  }
0xe6: {  	v23 =	vld [tilespmem:s23+$0xFFFFFF70];
	v10 =	vmul.f32 v10, v9;
	[tilespmem:s22+$0x50] =	vst v15;
	v14 =	vadd.f32 v14, v20  }
0xe7: {  	v15 =	vsub.f32 v22, v19;
	v20 =	vld [tilespmem:s23+$0x60]  }
0xe8: {  	v10 =	vadd.f32 v10, v17;
	v17 =	vld [tilespmem:s23+$0x140];
	[tilespmem:s20+$0xFFFFFF98] =	vst v14  }
0xe9: {  	v14 =	vmul.f32 v15, v9;
	v15 =	vld [tilespmem:s21+$0xFFFFFED0];
	v16 =	vsub.f32 v16, v13  }
0xea: {  	[tilespmem:s25+$0x10] =	vst v10;
	v10 =	vld [tilespmem:s21+$0xFFFFFFB0]  }
0xeb: {  	v14 =	vadd.f32 v14, v19;
	v22 =	vsub.f32 v23, v21;
	v19 =	vld [tilespmem:s24+$0x20];
	v16 =	vmul.f32 v16, v9  }
0xec: {  	v23 =	vld [tilespmem:s24+$0x100]  }
0xed: {  	[tilespmem:s25+$0xFFFFFF28] =	vst v14;
	v14 =	vmul.f32 v22, v9;
	v17 =	vsub.f32 v17, v20;
	v13 =	vadd.f32 v16, v13;
	v16 =	vld [tilespmem:s31+$0xFFFFFFE0]  }
0xee: {  	v22 =	vld [tilespmem:s24+$0xFFFFFE60]  }
0xef: {  	v14 =	vadd.f32 v14, v21;
	v21 =	vld [tilespmem:s24+$0xFFFFFF40];
	v17 =	vmul.f32 v17, v9;
	v10 =	vsub.f32 v10, v15;
	[tilespmem:s20+$0xA0] =	vst v13  }
0xf0: {  	v13 =	vld [tilespmem:s21+$0xB0]  }
0xf1: {  	v23 =	vsub.f32 v23, v19;
	[tilespmem:s22+$0xFFFFFF68] =	vst v14;
	v14 =	vadd.f32 v17, v20;
	v10 =	vmul.f32 v10, v9;
	v17 =	vld [tilespmem:s21+$0x190]  }
0xf2: {  	v20 =	vld [tilespmem:s23+$0xFFFFFEA0]  }
0xf3: {  	v16 =	vsub.f32 v16, v18;
	v23 =	vmul.f32 v23, v9;
	[tilespmem:s22+$0x60] =	vst v14;
	v14 =	vld [tilespmem:s23+$0xFFFFFF80];
	v10 =	vadd.f32 v10, v15  }
0xf4: {  	v15 =	vsub.f32 v21, v22;
	v21 =	vld [tilespmem:s23+$0x70]  }
0xf5: {  	v16 =	vmul.f32 v16, v9;
	v19 =	vadd.f32 v23, v19;
	v23 =	vld [tilespmem:s23+$0x150];
	[tilespmem:s20+$0xFFFFFFA8] =	vst v10  }
0xf6: {  	v10 =	vmul.f32 v15, v9;
	v15 =	vld [tilespmem:s21+$0xFFFFFEE0];
	v17 =	vsub.f32 v17, v13  }
0xf7: {  	v16 =	vadd.f32 v16, v18;
	[tilespmem:s25+$0x20] =	vst v19;
	v18 =	vld [tilespmem:s21+$0xFFFFFFC0]  }
0xf8: {  	v10 =	vadd.f32 v10, v22;
	v19 =	vld [tilespmem:s24+$0x30];
	v14 =	vsub.f32 v14, v20;
	v17 =	vmul.f32 v17, v9  }
0xf9: {  	[tilespmem:s19+$0xFFFFFFD8] =	vst v16;
	v16 =	vld [tilespmem:s24+$0x110]  }
0xfa: {  	[tilespmem:s25+$0xFFFFFF38] =	vst v10;
	v22 =	vsub.f32 v23, v21;
	v10 =	vld [tilespmem:s31+$0xFFFFFF10];
	v14 =	vmul.f32 v14, v9;
	v13 =	vadd.f32 v17, v13  }
0xfb: {  	v17 =	vld [tilespmem:s24+$0xFFFFFE70]  }
0xfc: {  	v22 =	vmul.f32 v22, v9;
	v18 =	vsub.f32 v18, v15;
	v14 =	vadd.f32 v14, v20;
	v20 =	vld [tilespmem:s24+$0xFFFFFF50];
	[tilespmem:s20+$0xB0] =	vst v13  }
0xfd: {  	v13 =	vld [tilespmem:s21+$0xC0]  }
0xfe: {  	v23 =	vsub.f32 v16, v19;
	v18 =	vmul.f32 v18, v9;
	[tilespmem:s22+$0xFFFFFF78] =	vst v14;
	v14 =	vadd.f32 v22, v21;
	v21 =	vld [tilespmem:s21+$0x1A0]  }
0xff: {  	v16 =	vld [tilespmem:s23+$0xFFFFFEB0]  }
0x100: {  	v12 =	vsub.f32 v12, v11;
	v22 =	vmul.f32 v23, v9;
	v23 =	vld [tilespmem:s23+$0xFFFFFF90];
	[tilespmem:s22+$0x70] =	vst v14;
	v14 =	vadd.f32 v18, v15  }
0x101: {  	v18 =	vsub.f32 v20, v17;
	v15 =	vld [tilespmem:s23+$0x80]  }
0x102: {  	v20 =	vmul.f32 v12, v9;
	v19 =	vadd.f32 v22, v19;
	v22 =	vld [tilespmem:s23+$0x160];
	[tilespmem:s20+$0xFFFFFFB8] =	vst v14  }
0x103: {  	v18 =	vmul.f32 v18, v9;
	v12 =	vld [tilespmem:s21+$0xFFFFFEF0];
	v21 =	vsub.f32 v21, v13  }
0x104: {  	v11 =	vadd.f32 v20, v11;
	[tilespmem:s25+$0x30] =	vst v19;
	v14 =	vld [tilespmem:s21+$0xFFFFFFD0]  }
0x105: {  	v19 =	vsub.f32 v23, v16;
	v20 =	vld [tilespmem:s24+$0x120];
	v17 =	vadd.f32 v18, v17;
	v21 =	vmul.f32 v21, v9  }
0x106: {  	v18 =	vld [tilespmem:s24+$0x40];
	[tilespmem:s19+$0xD0] =	vst v11  }
0x107: {  	s28 =	simm.s32 $0x6;
	s29 =	sadd.s32 $0x380, s24;
	v11 =	vld [tilespmem:s31+$0xFFFFFFF0];
	v19 =	vmul.f32 v19, v9;
	[tilespmem:s25+$0xFFFFFF48] =	vst v17;
	v17 =	vsub.f32 v22, v15;
	v13 =	vadd.f32 v21, v13  }
.LBB2_4:
0x108: {  	v21 =	vld [tilespmem:s29+$0x0];
	s26 =	smov.u32 s24;
	s24 =	smov.u32 s29  }
0x109: {  	v22 =	vld [tilespmem:s29+$0xE0];
	v16 =	vadd.f32 v19, v16;
	v17 =	vmul.f32 v17, v9;
	v14 =	vsub.f32 v14, v12;
	[tilespmem:s20+$0xC0] =	vst v13  }
0x10a: {  	v13 =	vld [tilespmem:s21+$0xD0]  }
0x10b: {  	v19 =	vsub.f32 v20, v18;
	[tilespmem:s22+$0xFFFFFF88] =	vst v16;
	v15 =	vadd.f32 v17, v15;
	v14 =	vmul.f32 v14, v9;
	v16 =	vld [tilespmem:s21+$0x1B0]  }
0x10c: {  	v17 =	vld [tilespmem:s29+$0xFFFFFF20];
	v11 =	vsub.f32 v11, v10  }
0x10d: {  	v20 =	vld [tilespmem:s29+$0xFFFFFE40];
	v19 =	vmul.f32 v19, v9;
	[tilespmem:s22+$0x80] =	vst v15;
	v12 =	vadd.f32 v14, v12  }
0x10e: {  	v14 =	vld [tilespmem:s23+$0x90];
	v11 =	vmul.f32 v11, v9  }
0x10f: {  	v15 =	vsub.f32 v22, v21;
	v18 =	vadd.f32 v19, v18;
	v19 =	vld [tilespmem:s23+$0x170];
	[tilespmem:s20+$0xFFFFFFC8] =	vst v12  }
0x110: {  	v12 =	vld [tilespmem:s26+$0xFFFFFE80];
	v16 =	vsub.f32 v16, v13;
	v10 =	vadd.f32 v11, v10  }
0x111: {  	v11 =	vmul.f32 v15, v9;
	v15 =	vld [tilespmem:s26+$0xFFFFFF60];
	[tilespmem:s25+$0x40] =	vst v18  }
0x112: {  	v17 =	vsub.f32 v17, v20;
	v18 =	vld [tilespmem:s26+$0x50];
	v16 =	vmul.f32 v16, v9;
	[tilespmem:s19+$0xFFFFFFE8] =	vst v10;
	s19 =	smov.u32 s20;
	s20 =	smov.u32 s22;
	s22 =	smov.u32 s25  }
0x113: {  	v10 =	vadd.f32 v11, v21;
	v11 =	vld [tilespmem:s26+$0x130]  }
0x114: {  	s25 =	sadd.s32 $0x1D0, s25;
	v17 =	vmul.f32 v17, v9;
	v21 =	vld [tilespmem:s23+$0xFFFFFEC0];
	v19 =	vsub.f32 v19, v14;
	v13 =	vadd.f32 v16, v13  }
0x115: {  	[tilespmem:s25+$0x0] =	vst v10;
	v10 =	vld [tilespmem:s23+$0xFFFFFFA0]  }
0x116: {  	v16 =	vadd.f32 v17, v20;
	v17 =	vld [tilespmem:s29+$0x10];
	v15 =	vsub.f32 v15, v12;
	v19 =	vmul.f32 v19, v9;
	[tilespmem:s19+$0xD0] =	vst v13  }
0x117: {  	s28 =	sadd.s32 $0x2, s28;
	v13 =	vld [tilespmem:s29+$0xF0]  }
0x118: {  	p1 =	slt.u32 s28, $0x5E;
	[tilespmem:s25+$0xFFFFFF18] =	vst v16;
	v15 =	vmul.f32 v15, v9;
	v11 =	vsub.f32 v11, v18;
	v14 =	vadd.f32 v19, v14;
	v16 =	vld [tilespmem:s21+$0xFFFFFF00]  }
0x119: {  	v19 =	vld [tilespmem:s29+$0xFFFFFE50]  }
0x11a: {  	v20 =	vld [tilespmem:s29+$0xFFFFFF30];
	v12 =	vadd.f32 v15, v12;
	v11 =	vmul.f32 v11, v9;
	v10 =	vsub.f32 v10, v21;
	[tilespmem:s20+$0x90] =	vst v14  }
0x11b: {  	v14 =	vld [tilespmem:s23+$0xA0]  }
0x11c: {  	v13 =	vsub.f32 v13, v17;
	[tilespmem:s22+$0xFFFFFF58] =	vst v12;
	v11 =	vadd.f32 v11, v18;
	v10 =	vmul.f32 v10, v9;
	v12 =	vld [tilespmem:s23+$0x180]  }
0x11d: {  	v15 =	vld [tilespmem:s26+$0xFFFFFE90]  }
0x11e: {  	v13 =	vmul.f32 v13, v9;
	v18 =	vld [tilespmem:s26+$0xFFFFFF70];
	[tilespmem:s22+$0x50] =	vst v11;
	v10 =	vadd.f32 v10, v21  }
0x11f: {  	v11 =	vsub.f32 v20, v19;
	v20 =	vld [tilespmem:s26+$0x60]  }
0x120: {  	v13 =	vadd.f32 v13, v17;
	v17 =	vld [tilespmem:s26+$0x140];
	[tilespmem:s20+$0xFFFFFF98] =	vst v10  }
0x121: {  	v10 =	vmul.f32 v11, v9;
	v11 =	vld [tilespmem:s23+$0xFFFFFED0];
	v12 =	vsub.f32 v12, v14  }
0x122: {  	[tilespmem:s25+$0x10] =	vst v13;
	v13 =	vld [tilespmem:s23+$0xFFFFFFB0]  }
0x123: {  	v10 =	vadd.f32 v10, v19;
	v19 =	vld [tilespmem:s29+$0x20];
	v18 =	vsub.f32 v18, v15;
	v12 =	vmul.f32 v12, v9  }
0x124: {  	v21 =	vld [tilespmem:s29+$0x100]  }
0x125: {  	[tilespmem:s25+$0xFFFFFF28] =	vst v10;
	v10 =	vmul.f32 v18, v9;
	v17 =	vsub.f32 v17, v20;
	v12 =	vadd.f32 v12, v14;
	v14 =	vld [tilespmem:s21+$0xFFFFFFE0]  }
0x126: {  	v18 =	vld [tilespmem:s29+$0xFFFFFE60]  }
0x127: {  	v22 =	vld [tilespmem:s29+$0xFFFFFF40];
	v10 =	vadd.f32 v10, v15;
	v15 =	vmul.f32 v17, v9;
	v13 =	vsub.f32 v13, v11;
	[tilespmem:s20+$0xA0] =	vst v12  }
0x128: {  	v12 =	vld [tilespmem:s23+$0xB0]  }
0x129: {  	v17 =	vsub.f32 v21, v19;
	[tilespmem:s22+$0xFFFFFF68] =	vst v10;
	v10 =	vadd.f32 v15, v20;
	v13 =	vmul.f32 v13, v9;
	v15 =	vld [tilespmem:s23+$0x190]  }
0x12a: {  	v20 =	vld [tilespmem:s26+$0xFFFFFEA0];
	v14 =	vsub.f32 v14, v16  }
0x12b: {  	v17 =	vmul.f32 v17, v9;
	v21 =	vld [tilespmem:s26+$0xFFFFFF80];
	[tilespmem:s22+$0x60] =	vst v10;
	v10 =	vadd.f32 v13, v11  }
0x12c: {  	v11 =	vsub.f32 v22, v18;
	v13 =	vld [tilespmem:s26+$0x70];
	v14 =	vmul.f32 v14, v9  }
0x12d: {  	v17 =	vadd.f32 v17, v19;
	v19 =	vld [tilespmem:s26+$0x150];
	[tilespmem:s20+$0xFFFFFFA8] =	vst v10  }
0x12e: {  	v10 =	vmul.f32 v11, v9;
	v11 =	vld [tilespmem:s23+$0xFFFFFEE0];
	v15 =	vsub.f32 v15, v12;
	v14 =	vadd.f32 v14, v16  }
0x12f: {  	[tilespmem:s25+$0x20] =	vst v17;
	v16 =	vld [tilespmem:s23+$0xFFFFFFC0]  }
0x130: {  	v10 =	vadd.f32 v10, v18;
	v17 =	vld [tilespmem:s29+$0x30];
	v18 =	vsub.f32 v21, v20;
	v15 =	vmul.f32 v15, v9;
	[tilespmem:s19+$0xFFFFFFD8] =	vst v14  }
0x131: {  	v14 =	vld [tilespmem:s29+$0x110]  }
0x132: {  	[tilespmem:s25+$0xFFFFFF38] =	vst v10;
	v18 =	vmul.f32 v18, v9;
	v19 =	vsub.f32 v19, v13;
	v12 =	vadd.f32 v15, v12;
	v10 =	vld [tilespmem:s21+$0xFFFFFF10]  }
0x133: {  	v21 =	vld [tilespmem:s29+$0xFFFFFE70]  }
0x134: {  	v15 =	vld [tilespmem:s29+$0xFFFFFF50];
	v18 =	vadd.f32 v18, v20;
	v19 =	vmul.f32 v19, v9;
	v16 =	vsub.f32 v16, v11;
	[tilespmem:s20+$0xB0] =	vst v12  }
0x135: {  	v22 =	vld [tilespmem:s23+$0xC0]  }
0x136: {  	v12 =	vsub.f32 v14, v17;
	[tilespmem:s22+$0xFFFFFF78] =	vst v18;
	v13 =	vadd.f32 v19, v13;
	v14 =	vmul.f32 v16, v9;
	v18 =	vld [tilespmem:s23+$0x1A0]  }
0x137: {  	v16 =	vld [tilespmem:s26+$0xFFFFFEB0]  }
0x138: {  	v12 =	vmul.f32 v12, v9;
	v19 =	vld [tilespmem:s26+$0xFFFFFF90];
	[tilespmem:s22+$0x70] =	vst v13;
	v11 =	vadd.f32 v14, v11  }
0x139: {  	v13 =	vsub.f32 v15, v21;
	v15 =	vld [tilespmem:s26+$0x80]  }
0x13a: {  	v14 =	vadd.f32 v12, v17;
	v17 =	vld [tilespmem:s26+$0x160];
	[tilespmem:s20+$0xFFFFFFB8] =	vst v11  }
.Ltmp0:
0x13b: {  	v11 =	vmul.f32 v13, v9;
	v12 =	vld [tilespmem:s23+$0xFFFFFEF0];
	v13 =	vsub.f32 v18, v22;
	(pc) =	sbr.rel @p1 .LBB2_4-.Ltmp0, $4  }
0x13c: {  	[tilespmem:s25+$0x30] =	vst v14;
	v14 =	vld [tilespmem:s23+$0xFFFFFFD0]  }
0x13d: {  	v11 =	vadd.f32 v11, v21;
	v18 =	vld [tilespmem:s29+$0x40];
	v19 =	vsub.f32 v19, v16;
	v13 =	vmul.f32 v13, v9  }
0x13e: {  	v20 =	vld [tilespmem:s29+$0x120]  }
0x13f: {  	s29 =	sadd.s32 $0x380, s29;
	[tilespmem:s25+$0xFFFFFF48] =	vst v11;
	v19 =	vmul.f32 v19, v9;
	v17 =	vsub.f32 v17, v15;
	v13 =	vadd.f32 v13, v22;
	v11 =	vld [tilespmem:s21+$0xFFFFFFF0];
	s21 =	smov.u32 s23;
	s23 =	smov.u32 s26  }
0x140: {  	v21 =	vld [tilespmem:s24+$0xFFFFFE80]  }
0x141: {  	v22 =	vld [tilespmem:s24+$0xFFFFFF60];
	_ =	sdelay $0x2  }
0x142: {  	v20 =	vsub.f32 v20, v18;
	_ =	sdelay $0x1  }
0x143: {  	v20 =	vmul.f32 v20, v9;
	v22 =	vsub.f32 v22, v21;
	_ =	sdelay $0x1  }
0x144: {  	v18 =	vadd.f32 v20, v18;
	v20 =	vmul.f32 v22, v9;
	_ =	sdelay $0x1  }
0x145: {  	[tilespmem:s25+$0x40] =	vst v18;
	v18 =	vadd.f32 v20, v21  }
0x146: {  	v20 =	vld [tilespmem:s24+$0x50]  }
0x147: {  	v21 =	vld [tilespmem:s24+$0x130];
	[tilespmem:s25+$0xFFFFFF58] =	vst v18  }
0x148: {  	v18 =	vld [tilespmem:s24+$0xFFFFFE90]  }
0x149: {  	v22 =	vld [tilespmem:s24+$0xFFFFFF70];
	_ =	sdelay $0x2  }
0x14a: {  	v21 =	vsub.f32 v21, v20;
	_ =	sdelay $0x1  }
0x14b: {  	v21 =	vmul.f32 v21, v9;
	v22 =	vsub.f32 v22, v18;
	_ =	sdelay $0x1  }
0x14c: {  	v20 =	vadd.f32 v21, v20;
	v21 =	vmul.f32 v22, v9;
	_ =	sdelay $0x1  }
0x14d: {  	[tilespmem:s25+$0x50] =	vst v20;
	v18 =	vadd.f32 v21, v18  }
0x14e: {  	v20 =	vld [tilespmem:s24+$0x60]  }
0x14f: {  	v21 =	vld [tilespmem:s24+$0x140];
	[tilespmem:s25+$0xFFFFFF68] =	vst v18  }
0x150: {  	v18 =	vld [tilespmem:s24+$0xFFFFFEA0]  }
0x151: {  	v22 =	vld [tilespmem:s24+$0xFFFFFF80];
	_ =	sdelay $0x2  }
0x152: {  	v21 =	vsub.f32 v21, v20;
	_ =	sdelay $0x1  }
0x153: {  	v21 =	vmul.f32 v21, v9;
	v22 =	vsub.f32 v22, v18;
	_ =	sdelay $0x1  }
0x154: {  	v20 =	vadd.f32 v21, v20;
	v21 =	vmul.f32 v22, v9;
	_ =	sdelay $0x1  }
0x155: {  	[tilespmem:s25+$0x60] =	vst v20;
	v18 =	vadd.f32 v21, v18  }
0x156: {  	v20 =	vld [tilespmem:s24+$0x70]  }
0x157: {  	v21 =	vld [tilespmem:s24+$0x150];
	[tilespmem:s25+$0xFFFFFF78] =	vst v18  }
0x158: {  	v18 =	vld [tilespmem:s24+$0xFFFFFEB0]  }
0x159: {  	v22 =	vld [tilespmem:s24+$0xFFFFFF90];
	_ =	sdelay $0x2  }
0x15a: {  	v21 =	vsub.f32 v21, v20;
	_ =	sdelay $0x1  }
0x15b: {  	v16 =	vadd.f32 v19, v16;
	v19 =	vmul.f32 v21, v9;
	v21 =	vsub.f32 v22, v18;
	_ =	sdelay $0x1  }
0x15c: {  	[tilespmem:s22+$0xFFFFFF88] =	vst v16;
	v16 =	vadd.f32 v19, v20;
	v19 =	vmul.f32 v21, v9  }
0x15d: {  	v20 =	vld [tilespmem:s23+$0xFFFFFEC0]  }
0x15e: {  	v21 =	vld [tilespmem:s23+$0xFFFFFFA0];
	[tilespmem:s25+$0x70] =	vst v16;
	v16 =	vadd.f32 v19, v18  }
0x15f: {  	v18 =	vld [tilespmem:s24+$0x80]  }
0x160: {  	v19 =	vld [tilespmem:s24+$0x160];
	[tilespmem:s25+$0xFFFFFF88] =	vst v16  }
0x161: {  	v16 =	vld [tilespmem:s24+$0xFFFFFEC0]  }
0x162: {  	v22 =	vld [tilespmem:s24+$0xFFFFFFA0]  }
0x163: {  	v17 =	vmul.f32 v17, v9;
	v21 =	vsub.f32 v21, v20;
	_ =	sdelay $0x1  }
0x164: {  	v15 =	vadd.f32 v17, v15;
	v17 =	vmul.f32 v21, v9;
	v19 =	vsub.f32 v19, v18;
	_ =	sdelay $0x1  }
0x165: {  	[tilespmem:s22+$0x80] =	vst v15;
	v15 =	vadd.f32 v17, v20;
	v17 =	vmul.f32 v19, v9;
	v19 =	vsub.f32 v22, v16  }
0x166: {  	v21 =	vld [tilespmem:s23+$0x170]  }
0x167: {  	v20 =	vld [tilespmem:s23+$0x90];
	[tilespmem:s22+$0xFFFFFF98] =	vst v15;
	v15 =	vadd.f32 v17, v18;
	v17 =	vmul.f32 v19, v9  }
0x168: {  	v18 =	vld [tilespmem:s23+$0xFFFFFED0]  }
0x169: {  	v19 =	vld [tilespmem:s23+$0xFFFFFFB0];
	[tilespmem:s25+$0x80] =	vst v15;
	v15 =	vadd.f32 v17, v16  }
0x16a: {  	v16 =	vld [tilespmem:s24+$0x90]  }
0x16b: {  	v17 =	vld [tilespmem:s24+$0x170];
	[tilespmem:s25+$0xFFFFFF98] =	vst v15  }
0x16c: {  	v15 =	vsub.f32 v21, v20;
	v21 =	vld [tilespmem:s24+$0xFFFFFED0]  }
0x16d: {  	v22 =	vld [tilespmem:s24+$0xFFFFFFB0]  }
0x16e: {  	v19 =	vsub.f32 v19, v18;
	v15 =	vmul.f32 v15, v9;
	_ =	sdelay $0x1  }
0x16f: {  	v19 =	vmul.f32 v19, v9;
	v15 =	vadd.f32 v15, v20;
	v17 =	vsub.f32 v17, v16;
	_ =	sdelay $0x1  }
0x170: {  	[tilespmem:s22+$0x90] =	vst v15;
	v15 =	vadd.f32 v19, v18;
	v17 =	vmul.f32 v17, v9;
	v18 =	vsub.f32 v22, v21  }
0x171: {  	v19 =	vld [tilespmem:s23+$0xA0]  }
0x172: {  	v20 =	vld [tilespmem:s23+$0x180];
	[tilespmem:s22+$0xFFFFFFA8] =	vst v15;
	v15 =	vadd.f32 v17, v16;
	v16 =	vmul.f32 v18, v9  }
0x173: {  	v17 =	vld [tilespmem:s23+$0xFFFFFEE0]  }
0x174: {  	v18 =	vld [tilespmem:s23+$0xFFFFFFC0];
	[tilespmem:s25+$0x90] =	vst v15;
	v15 =	vadd.f32 v16, v21  }
0x175: {  	v16 =	vld [tilespmem:s24+$0xA0]  }
0x176: {  	v21 =	vld [tilespmem:s24+$0x180];
	[tilespmem:s25+$0xFFFFFFA8] =	vst v15  }
0x177: {  	v15 =	vsub.f32 v20, v19;
	v20 =	vld [tilespmem:s24+$0xFFFFFEE0]  }
0x178: {  	v22 =	vld [tilespmem:s24+$0xFFFFFFC0]  }
0x179: {  	v15 =	vmul.f32 v15, v9;
	v18 =	vsub.f32 v18, v17;
	_ =	sdelay $0x1  }
0x17a: {  	v15 =	vadd.f32 v15, v19;
	v18 =	vmul.f32 v18, v9;
	v19 =	vsub.f32 v21, v16;
	_ =	sdelay $0x1  }
0x17b: {  	[tilespmem:s22+$0xA0] =	vst v15;
	v15 =	vadd.f32 v18, v17;
	v17 =	vmul.f32 v19, v9;
	v18 =	vsub.f32 v22, v20  }
0x17c: {  	v19 =	vld [tilespmem:s23+$0xB0]  }
0x17d: {  	v21 =	vld [tilespmem:s23+$0x190];
	[tilespmem:s22+$0xFFFFFFB8] =	vst v15;
	v15 =	vadd.f32 v17, v16;
	v16 =	vmul.f32 v18, v9  }
0x17e: {  	v17 =	vld [tilespmem:s23+$0xFFFFFEF0]  }
0x17f: {  	v18 =	vld [tilespmem:s23+$0xFFFFFFD0];
	[tilespmem:s25+$0xA0] =	vst v15;
	v15 =	vadd.f32 v16, v20  }
0x180: {  	v14 =	vsub.f32 v14, v12;
	v16 =	vld [tilespmem:s24+$0xB0]  }
0x181: {  	v20 =	vld [tilespmem:s24+$0x190];
	[tilespmem:s25+$0xFFFFFFB8] =	vst v15  }
0x182: {  	v14 =	vmul.f32 v14, v9;
	v15 =	vsub.f32 v21, v19;
	v21 =	vld [tilespmem:s24+$0xFFFFFEF0]  }
0x183: {  	v22 =	vld [tilespmem:s24+$0xFFFFFFD0]  }
0x184: {  	v12 =	vadd.f32 v14, v12;
	v14 =	vmul.f32 v15, v9;
	v15 =	vsub.f32 v18, v17;
	_ =	sdelay $0x1  }
0x185: {  	[tilespmem:s20+$0xFFFFFFC8] =	vst v12;
	v12 =	vadd.f32 v14, v19;
	v14 =	vmul.f32 v15, v9;
	v15 =	vsub.f32 v20, v16  }
0x186: {  	v18 =	vld [tilespmem:s21+$0xFFFFFF00]  }
0x187: {  	v19 =	vld [tilespmem:s21+$0xFFFFFFE0];
	[tilespmem:s22+$0xB0] =	vst v12;
	v12 =	vadd.f32 v14, v17;
	v14 =	vmul.f32 v15, v9;
	v15 =	vsub.f32 v22, v21  }
0x188: {  	v17 =	vld [tilespmem:s23+$0xC0]  }
0x189: {  	v20 =	vld [tilespmem:s23+$0x1A0];
	[tilespmem:s22+$0xFFFFFFC8] =	vst v12;
	v12 =	vadd.f32 v14, v16;
	v14 =	vmul.f32 v15, v9  }
0x18a: {  	v15 =	vld [tilespmem:s23+$0xFFFFFF00]  }
0x18b: {  	v16 =	vld [tilespmem:s23+$0xFFFFFFE0];
	[tilespmem:s25+$0xB0] =	vst v12;
	v12 =	vadd.f32 v14, v21  }
0x18c: {  	v14 =	vsub.f32 v19, v18;
	v19 =	vld [tilespmem:s24+$0xC0]  }
0x18d: {  	v21 =	vld [tilespmem:s24+$0x1A0];
	[tilespmem:s25+$0xFFFFFFC8] =	vst v12  }
0x18e: {  	v12 =	vmul.f32 v14, v9;
	v14 =	vsub.f32 v20, v17;
	v20 =	vld [tilespmem:s24+$0xFFFFFF00]  }
0x18f: {  	v22 =	vld [tilespmem:s24+$0xFFFFFFE0]  }
0x190: {  	[tilespmem:s20+$0xC0] =	vst v13;
	v12 =	vadd.f32 v12, v18;
	v13 =	vmul.f32 v14, v9;
	v14 =	vsub.f32 v16, v15  }
0x191: {  	v16 =	vld [tilespmem:s21+$0xD0]  }
0x192: {  	v18 =	vld [tilespmem:s21+$0x1B0];
	[tilespmem:s20+$0xFFFFFFD8] =	vst v12;
	v12 =	vadd.f32 v13, v17;
	v13 =	vmul.f32 v14, v9;
	v14 =	vsub.f32 v21, v19  }
0x193: {  	v17 =	vld [tilespmem:s21+$0xFFFFFF10]  }
0x194: {  	v21 =	vld [tilespmem:s21+$0xFFFFFFF0];
	[tilespmem:s22+$0xC0] =	vst v12;
	v12 =	vadd.f32 v13, v15;
	v13 =	vmul.f32 v14, v9;
	v14 =	vsub.f32 v22, v20  }
0x195: {  	v15 =	vld [tilespmem:s23+$0xD0]  }
0x196: {  	v22 =	vld [tilespmem:s23+$0x1B0];
	[tilespmem:s22+$0xFFFFFFD8] =	vst v12;
	v12 =	vadd.f32 v13, v19;
	v13 =	vmul.f32 v14, v9  }
0x197: {  	v14 =	vld [tilespmem:s23+$0xFFFFFF10]  }
0x198: {  	v19 =	vld [tilespmem:s23+$0xFFFFFFF0];
	[tilespmem:s25+$0xC0] =	vst v12;
	v12 =	vadd.f32 v13, v20  }
0x199: {  	v13 =	vld [tilespmem:s24+$0xD0]  }
0x19a: {  	v20 =	vld [tilespmem:s24+$0x1B0];
	[tilespmem:s25+$0xFFFFFFD8] =	vst v12  }
0x19b: {  	v11 =	vsub.f32 v11, v10;
	v12 =	vld [tilespmem:s24+$0xFFFFFF10]  }
0x19c: {  	v18 =	vsub.f32 v18, v16;
	v23 =	vld [tilespmem:s24+$0xFFFFFFF0]  }
0x19d: {  	v11 =	vmul.f32 v11, v9;
	v21 =	vsub.f32 v21, v17  }
0x19e: {  	v18 =	vmul.f32 v18, v9;
	v22 =	vsub.f32 v22, v15  }
0x19f: {  	v10 =	vadd.f32 v11, v10;
	v11 =	vmul.f32 v21, v9;
	v19 =	vsub.f32 v19, v14  }
0x1a0: {  	s31 =	simm.s32 $0xDF;
	v16 =	vadd.f32 v18, v16;
	v18 =	vmul.f32 v22, v9;
	v20 =	vsub.f32 v20, v13  }
0x1a1: {  	[tilespmem:s19+$0xFFFFFFE8] =	vst v10;
	s23 =	smulhi.u32 $0x929CEBF5, s31;
	v10 =	vadd.f32 v11, v17;
	v11 =	vmul.f32 v19, v9;
	v17 =	vsub.f32 v23, v12  }
0x1a2: {  	[tilespmem:s20+$0xD0] =	vst v16;
	v15 =	vadd.f32 v18, v15;
	v16 =	vmul.f32 v20, v9  }
0x1a3: {  	s19 =	sshrl.u32 s23, $0x8;
	[tilespmem:s20+$0xFFFFFFE8] =	vst v10;
	v10 =	vadd.f32 v11, v14;
	v9 =	vmul.f32 v17, v9  }
0x1a4: {  	[tilespmem:s22+$0xD0] =	vst v15;
	v11 =	vadd.f32 v16, v13;
	v13 =	vmov s19  }
0x1a5: {  	[tilespmem:s22+$0xFFFFFFE8] =	vst v10;
	v10 =	vand.u32 $0x1FF, v13;
	v9 =	vadd.f32 v9, v12  }
0x1a6: {  	p1 =	seq.s32 s18, $0x0;
	s19 =	smin.u32 s19, $0xDE;
	[tilespmem:s25+$0xD0] =	vst v11;
	v11 =	vadd.s32 v0, v10  }
0x1a7: {  	s24 =	sadd.s32 $0x1, s19;
	s19 =	simm.s32 @!p1 $0x2;
	v12 =	vadd.s32 v1, v10;
	[tilespmem:s25+$0xFFFFFFE8] =	vst v9  }
0x1a8: {  	s18 =	simm.s32 $0x0;
	v13 =	vadd.s32 s24, v1;
	_ =	swait.ge @!p1 [sflag:s19], $0x5400  }
0x1a9: {  	s26 =	smulhi.u32 $0x929CEBF5, s18;
	v14 =	vadd.s32 v3, v10;
	[sflag:s19] =	ssyncset.done @!p1 $0x0  }
0x1aa: {  	v9 =	vadd.s32 s24, v0;
	s25 =	simm.s32 $0xDF;
	[sflag:s19] =	ssyncadd.s32 @!p1 $0xFFFFAC00  }
0x1ab: {  	s21 =	sshrl.u32 s26, $0x8;
	v15 =	vadd.s32 s24, v3;
	s19 =	smulhi.u32 $0x929CEBF5, s25;
	v11 =	vld.idx.msk [tilespmem:v11+s11+$0x0], $0xffff  }
0x1ac: {  	v17 =	vmov s21;
	v16 =	vadd.s32 v4, v10;
	v12 =	vld.idx.msk [tilespmem:v12+s11+$0x0], $0xffff  }
0x1ad: {  	s28 =	smin.u32 s21, $0xDE;
	v17 =	vand.u32 $0x1FF, v17;
	v18 =	vadd.s32 s24, v4;
	v13 =	vld.idx.msk [tilespmem:v13+s11+$0x0], $0xffff;
	s19 =	sshrl.u32 s19, $0x8  }
0x1ae: {  	s30 =	sadd.s32 $0x1, s28;
	v19 =	vadd.s32 v0, v17;
	v14 =	vld.idx.msk [tilespmem:v14+s11+$0x0], $0xffff;
	s29 =	smul.u32 $0x1BF, s19  }
0x1af: {  	v20 =	vadd.s32 s30, v0;
	v9 =	vld.idx.msk [tilespmem:v9+s11+$0x0], $0xffff  }
0x1b0: {  	v21 =	vadd.s32 v1, v17;
	v15 =	vld.idx.msk [tilespmem:v15+s11+$0x0], $0xffff;
	s31 =	ssub.s32 $0x0, s29  }
0x1b1: {  	v22 =	vadd.s32 s30, v1;
	v16 =	vld.idx.msk [tilespmem:v16+s11+$0x0], $0xffff;
	s22 =	sadd.s32 $0xDF, s31  }
0x1b2: {  	v23 =	vadd.s32 v3, v17;
	v18 =	vld.idx.msk [tilespmem:v18+s11+$0x0], $0xffff;
	s22 =	scvt.s32.f32 s22  }
0x1b3: {  	v27 =	vadd.s32 v5, v10;
	v10 =	vadd.s32 v6, v10;
	v19 =	vld.idx.msk [tilespmem:v19+s11+$0x0], $0xffff  }
0x1b4: {  	v24 =	vadd.s32 s30, v3;
	v20 =	vld.idx.msk [tilespmem:v20+s11+$0x0], $0xffff;
	v9 =	vsub.f32 v9, v11;
	s22 =	smul.f32 $2.237136480e-03, s22  }
0x1b5: {  	v25 =	vadd.s32 v4, v17;
	v21 =	vld.idx.msk [tilespmem:v21+s11+$0x0], $0xffff;
	v13 =	vsub.f32 v13, v12  }
0x1b6: {  	v26 =	vadd.s32 s30, v4;
	v22 =	vld.idx.msk [tilespmem:v22+s11+$0x0], $0xffff;
	v15 =	vsub.f32 v15, v14;
	v9 =	vmul.f32 s22, v9  }
0x1b7: {  	v23 =	vld.idx.msk [tilespmem:v23+s11+$0x0], $0xffff;
	v18 =	vsub.f32 v18, v16;
	v13 =	vmul.f32 s22, v13  }
0x1b8: {  	v28 =	vadd.s32 s24, v5;
	v10 =	vld.idx.msk [tilespmem:v10+s11+$0x0], $0xffff;
	v9 =	vadd.f32 v9, v11;
	v11 =	vmul.f32 s22, v15  }
0x1b9: {  	s21 =	smul.u32 $0xFFFFFE41, s21;
	v15 =	vld.idx.msk [tilespmem:v24+s11+$0x0], $0xffff;
	v12 =	vadd.f32 v13, v12;
	v13 =	vmul.f32 s22, v18;
	v24 =	vadd.s32 s24, v6  }
0x1ba: {  	v18 =	vld.idx.msk [tilespmem:v25+s11+$0x0], $0xffff;
	v11 =	vadd.f32 v11, v14;
	(xrf1) =	vsort.dscd.msk.f32 $0xffff, v9, v9  }
0x1bb: {  	s21 =	sadd.s32 $0x0, s21;
	v9 =	vld.idx.msk [tilespmem:v26+s11+$0x0], $0xffff;
	v13 =	vadd.f32 v13, v16;
	(xrf1) =	vsort.ascd.msk.f32 $0xffff, v12, v12  }
0x1bc: {  	s20 =	scvt.s32.f32 s21;
	v12 =	vld.idx.msk [tilespmem:v27+s11+$0x0], $0xffff;
	(xrf1) =	vsort.dscd.msk.f32 $0xffff, v11, v11  }
0x1bd: {  	v11 =	vld.idx.msk [tilespmem:v28+s11+$0x0], $0xffff;
	(xrf1) =	vsort.ascd.msk.f32 $0xffff, v13, v13  }
0x1be: {  	s20 =	smul.f32 $2.237136480e-03, s20;
	v13 =	vsub.f32 v20, v19;
	v14 =	vld.idx.msk [tilespmem:v24+s11+$0x0], $0xffff;
	_ =	sdelay $0x1  }
0x1bf: {  	v16 =	vadd.s32 v5, v17;
	v20 =	vsub.f32 v22, v21;
	v13 =	vmul.f32 s20, v13  }
0x1c0: {  	v17 =	vadd.s32 v6, v17;
	v22 =	vadd.s32 s30, v5;
	v15 =	vsub.f32 v15, v23  }
0x1c1: {  	v20 =	vmul.f32 s20, v20;
	v9 =	vsub.f32 v9, v18;
	v13 =	vadd.f32 v13, v19  }
0x1c2: {  	v15 =	vmul.f32 s20, v15;
	v11 =	vsub.f32 v11, v12;
	v14 =	vsub.f32 v14, v10  }
0x1c3: {  	v19 =	vadd.f32 v20, v21;
	v9 =	vmul.f32 s20, v9;
	v20 =	vadd.s32 s30, v6  }
0x1c4: {  	(xrf1) =	vsort.dscd.msk.f32 $0xffff, v13, v13;
	v13 =	vadd.f32 v15, v23;
	v11 =	vmul.f32 s22, v11;
	v14 =	vmul.f32 s22, v14  }
0x1c5: {  	v9 =	vadd.f32 v9, v18;
	v15 =	vld.idx.msk [tilespmem:v16+s11+$0x0], $0xffff;
	(xrf1) =	vsort.ascd.msk.f32 $0xffff, v19, v19  }
0x1c6: {  	(xrf1) =	vsort.dscd.msk.f32 $0xffff, v13, v13;
	v11 =	vadd.f32 v11, v12;
	v12 =	vld.idx.msk [tilespmem:v22+s11+$0x0], $0xffff  }
0x1c7: {  	v13 =	vld.idx.msk [tilespmem:v17+s11+$0x0], $0xffff;
	(xrf1) =	vsort.ascd.msk.f32 $0xffff, v9, v9;
	v9 =	vadd.f32 v14, v10;
	v10, _, _ =	vpop (xrf1)  }
0x1c8: {  	v14, _, _ =	vpop (xrf1);
	(xrf1) =	vsort.dscd.msk.f32 $0xffff, v11, v11;
	v11 =	vld.idx.msk [tilespmem:v20+s11+$0x0], $0xffff  }
0x1c9: {  	v16 =	vmax.f32 v10, v14;
	v17, _, _ =	vpop (xrf1);
	(xrf1) =	vsort.ascd.msk.f32 $0xffff, v9, v9  }
0x1ca: {  	v9 =	vmin.f32 v10, v14;
	(xrf1) =	vsort.dscd.msk.f32 $0xffff, v16, v16;
	v10, _, _ =	vpop (xrf1)  }
0x1cb: {  	v14 =	vmin.f32 v17, v10;
	(xrf1) =	vsort.dscd.msk.f32 $0xffff, v9, v9  }
0x1cc: {  	v9 =	vmax.f32 v17, v10;
	v10 =	vsub.f32 v12, v15;
	(xrf1) =	vsort.ascd.msk.f32 $0xffff, v14, v14  }
0x1cd: {  	(xrf1) =	vsort.ascd.msk.f32 $0xffff, v9, v9;
	v9 =	vsub.f32 v11, v13  }
0x1ce: {  	v10 =	vmul.f32 s20, v10  }
0x1cf: {  	s24 =	simm.s32 $0x29D;
	v9 =	vmul.f32 s20, v9  }
0x1d0: {  	s23 =	simm.s32 $0x1BE;
	s25 =	smulhi.u32 $0x929CEBF5, s24;
	v10 =	vadd.f32 v10, v15  }
0x1d1: {  	s19 =	smulhi.u32 $0x929CEBF5, s23;
	v9 =	vadd.f32 v9, v13  }
0x1d2: {  	s28 =	sshrl.u32 s25, $0x8  }
0x1d3: {  	s26 =	sshrl.u32 s19, $0x8;
	s19 =	smin.u32 s28, $0xDE;
	v11, _, _ =	vpop (xrf1)  }
0x1d4: {  	s29 =	sadd.s32 $0x1, s19;
	(xrf1) =	vsort.dscd.msk.f32 $0xffff, v10, v10;
	v13 =	vmov s28;
	v10, _, _ =	vpop (xrf1)  }
0x1d5: {  	v17 =	vadd.s32 s29, v0;
	v13 =	vand.u32 $0x1FF, v13;
	(xrf1) =	vsort.ascd.msk.f32 $0xffff, v9, v9;
	v9, _, _ =	vpop (xrf1)  }
0x1d6: {  	v16 =	vadd.s32 v0, v13;
	v15, _, _ =	vpop (xrf1)  }
0x1d7: {  	s31 =	simm.s32 $0x29D;
	v25 =	vadd.s32 s29, v3;
	s30 =	smin.u32 s26, $0xDE;
	v18, _, _ =	vpop (xrf1)  }
0x1d8: {  	v30 =	vadd.s32 s29, v4;
	s19 =	sadd.s32 $0x1, s30;
	s22 =	smulhi.u32 $0x929CEBF5, s31;
	v12 =	vmov s26;
	v20, _, _ =	vpop (xrf1)  }
0x1d9: {  	v29 =	vadd.s32 s19, v0;
	v22 =	vadd.s32 s29, v1;
	v12 =	vand.u32 $0x1FF, v12;
	v23, _, _ =	vpop (xrf1)  }
0x1da: {  	s22 =	sshrl.u32 s22, $0x8;
	v14 =	vadd.s32 v0, v12;
	v17 =	vld.idx.msk [tilespmem:v17+s11+$0x0], $0xffff;
	v19 =	vadd.s32 v1, v13;
	v21 =	vmax.f32 v11, v10;
	v24, _, _ =	vpop (xrf1)  }
0x1db: {  	s22 =	smul.u32 $0x1BF, s22;
	v26 =	vadd.s32 v4, v13;
	(xrf1) =	vsort.dscd.msk.f32 $0xffff, v21, v21;
	v16 =	vld.idx.msk [tilespmem:v16+s11+$0x0], $0xffff;
	v27 =	vmin.f32 v18, v20;
	v28, _, _ =	vpop (xrf1)  }
0x1dc: {  	v25 =	vld.idx.msk [tilespmem:v25+s11+$0x0], $0xffff;
	v21 =	vadd.s32 v3, v13;
	v18 =	vmax.f32 v18, v20;
	(xrf1) =	vsort.ascd.msk.f32 $0xffff, v27, v27;
	v20, _, _ =	vpop (xrf1)  }
0x1dd: {  	v30 =	vld.idx.msk [tilespmem:v30+s11+$0x0], $0xffff;
	s22 =	ssub.s32 $0x1BE, s22;
	(xrf1) =	vsort.ascd.msk.f32 $0xffff, v18, v18;
	v27 =	vmax.f32 v23, v28;
	v31 =	vmax.f32 v24, v20  }
0x1de: {  	s22 =	sadd.s32 $0xDF, s22;
	v18 =	vld.idx.msk [tilespmem:v22+s11+$0x0], $0xffff;
	v22 =	vmin.f32 v23, v28;
	v20 =	vmin.f32 v24, v20;
	v23 =	vmax.f32 v27, v31  }
0x1df: {  	s22 =	scvt.s32.f32 s22;
	v19 =	vld.idx.msk [tilespmem:v19+s11+$0x0], $0xffff;
	v24 =	vadd.s32 v1, v12;
	v28 =	vmax.f32 v22, v20;
	(xrf1) =	vsort.dscd.msk.f32 $0xffff, v23, v23  }
0x1e0: {  	v14 =	vld.idx.msk [tilespmem:v14+s11+$0x0], $0xffff;
	v17 =	vsub.f32 v17, v16;
	v20 =	vmin.f32 v22, v20;
	(xrf1) =	vsort.dscd.msk.f32 $0xffff, v28, v28  }
0x1e1: {  	s22 =	smul.f32 $2.237136480e-03, s22;
	v21 =	vld.idx.msk [tilespmem:v21+s11+$0x0], $0xffff;
	v22 =	vadd.s32 v3, v12;
	v27 =	vmin.f32 v27, v31;
	(xrf1) =	vsort.dscd.msk.f32 $0xffff, v20, v20  }
0x1e2: {  	v10 =	vmin.f32 v11, v10;
	v11 =	vmax.f32 v9, v15;
	v23 =	vadd.s32 s19, v1;
	(xrf1) =	vsort.dscd.msk.f32 $0xffff, v27, v27  }
0x1e3: {  	v9 =	vmin.f32 v9, v15;
	v26 =	vld.idx.msk [tilespmem:v26+s11+$0x0], $0xffff;
	v17 =	vmul.f32 s22, v17;
	v20 =	vadd.s32 s19, v3  }
0x1e4: {  	s21 =	smul.u32 $0xFFFFFE41, s26;
	v15 =	vld.idx.msk [tilespmem:v29+s11+$0x0], $0xffff;
	v32, _, _ =	vpop (xrf1);
	v28 =	vadd.s32 v4, v12;
	v18 =	vsub.f32 v18, v19;
	(xrf1) =	vsort.dscd.msk.f32 $0xffff, v10, v10  }
0x1e5: {  	v31 =	vadd.s32 s19, v4;
	v16 =	vadd.f32 v17, v16;
	v10 =	vld.idx.msk [tilespmem:v24+s11+$0x0], $0xffff;
	(xrf1) =	vsort.ascd.msk.f32 $0xffff, v9, v9  }
0x1e6: {  	s21 =	sadd.s32 $0x1BE, s21;
	v27, _, _ =	vpop (xrf1);
	v18 =	vmul.f32 s22, v18;
	(xrf1) =	vsort.ascd.msk.f32 $0xffff, v11, v11;
	v11 =	vld.idx.msk [tilespmem:v22+s11+$0x0], $0xffff;
	v22 =	vsub.f32 v25, v21  }
0x1e7: {  	s21 =	scvt.s32.f32 s21;
	v29 =	vmax.f32 v32, v27;
	v24 =	vmin.f32 v32, v27;
	v9 =	vld.idx.msk [tilespmem:v23+s11+$0x0], $0xffff;
	v23 =	vadd.s32 v5, v13  }
0x1e8: {  	v27 =	vadd.s32 s29, v5;
	v18 =	vadd.f32 v18, v19;
	v25 =	vsub.f32 v30, v26;
	v20 =	vld.idx.msk [tilespmem:v20+s11+$0x0], $0xffff  }
0x1e9: {  	s21 =	smul.f32 $2.237136480e-03, s21;
	v15 =	vsub.f32 v15, v14;
	v13 =	vadd.s32 v6, v13;
	(xrf1) =	vsort.ascd.msk.f32 $0xffff, v24, v24;
	v24 =	vld.idx.msk [tilespmem:v28+s11+$0x0], $0xffff  }
0x1ea: {  	v28 =	vadd.s32 s29, v6;
	v17 =	vmul.f32 s22, v22;
	(xrf1) =	vsort.ascd.msk.f32 $0xffff, v29, v29;
	v19 =	vmul.f32 s22, v25;
	v25 =	vld.idx.msk [tilespmem:v31+s11+$0x0], $0xffff;
	v22, _, _ =	vpop (xrf1)  }
0x1eb: {  	v15 =	vmul.f32 s21, v15;
	(xrf1) =	vsort.dscd.msk.f32 $0xffff, v16, v16;
	v16, _, _ =	vpop (xrf1)  }
0x1ec: {  	v17 =	vadd.f32 v17, v21;
	(xrf1) =	vsort.ascd.msk.f32 $0xffff, v18, v18;
	v9 =	vsub.f32 v9, v10;
	v21 =	vld.idx.msk [tilespmem:v23+s11+$0x0], $0xffff;
	v18, _, _ =	vpop (xrf1)  }
0x1ed: {  	v19 =	vadd.f32 v19, v26;
	v23 =	vld.idx.msk [tilespmem:v27+s11+$0x0], $0xffff;
	v26, _, _ =	vpop (xrf1)  }
0x1ee: {  	v14 =	vadd.f32 v15, v14;
	v13 =	vld.idx.msk [tilespmem:v13+s11+$0x0], $0xffff;
	(xrf1) =	vsort.dscd.msk.f32 $0xffff, v17, v17;
	v9 =	vmul.f32 s21, v9;
	v27, _, _ =	vpop (xrf1)  }
0x1ef: {  	v20 =	vsub.f32 v20, v11;
	(xrf1) =	vsort.ascd.msk.f32 $0xffff, v19, v19;
	v15 =	vsub.f32 v25, v24;
	v25 =	vld.idx.msk [tilespmem:v28+s11+$0x0], $0xffff;
	v28, _, _ =	vpop (xrf1)  }
0x1f0: {  	v10 =	vadd.f32 v9, v10;
	v9 =	vmax.f32 v27, v16;
	v16 =	vmax.f32 v28, v18;
	v18, _, _ =	vpop (xrf1)  }
0x1f1: {  	(xrf1) =	vsort.dscd.msk.f32 $0xffff, v14, v14;
	v14 =	vmax.f32 v26, v9;
	v28 =	vmax.f32 v18, v16  }
0x1f2: {  	v17 =	vadd.s32 v5, v12;
	v9 =	vmin.f32 v26, v9;
	v26 =	vmax.f32 v14, v28  }
0x1f3: {  	v12 =	vadd.s32 v6, v12;
	v14 =	vmin.f32 v14, v28;
	(xrf1) =	vsort.dscd.msk.f32 $0xffff, v26, v26  }
0x1f4: {  	v16 =	vmin.f32 v18, v16;
	(xrf1) =	vsort.dscd.msk.f32 $0xffff, v14, v14;
	v14 =	vsub.f32 v25, v13  }
0x1f5: {  	v23 =	vsub.f32 v23, v21;
	v18 =	vmul.f32 s21, v20;
	v20, _, _ =	vpop (xrf1);
	v9 =	vmax.f32 v9, v16  }
0x1f6: {  	v19 =	vadd.s32 s19, v5;
	v15 =	vmul.f32 s21, v15;
	v26, _, _ =	vpop (xrf1);
	v14 =	vmul.f32 s22, v14  }
0x1f7: {  	v27 =	vadd.s32 s19, v6;
	v11 =	vadd.f32 v18, v11;
	v18 =	vmul.f32 s22, v23;
	v16, _, _ =	vpop (xrf1)  }
0x1f8: {  	(xrf1) =	vsort.dscd.msk.f32 $0xffff, v9, v9;
	v9, _, _ =	vpop (xrf1)  }
0x1f9: {  	v17 =	vld.idx.msk [tilespmem:v17+s11+$0x0], $0xffff;
	v15 =	vadd.f32 v15, v24;
	(xrf1) =	vsort.ascd.msk.f32 $0xffff, v10, v10;
	v10, _, _ =	vpop (xrf1)  }
0x1fa: {  	v12 =	vld.idx.msk [tilespmem:v12+s11+$0x0], $0xffff;
	(xrf1) =	vsort.dscd.msk.f32 $0xffff, v11, v11;
	v11 =	vadd.f32 v18, v21;
	v13 =	vadd.f32 v14, v13;
	v14, _, _ =	vpop (xrf1)  }
0x1fb: {  	v19 =	vld.idx.msk [tilespmem:v19+s11+$0x0], $0xffff;
	(xrf1) =	vsort.ascd.msk.f32 $0xffff, v15, v15;
	v18, _, _ =	vpop (xrf1)  }
0x1fc: {  	v15 =	vld.idx.msk [tilespmem:v27+s11+$0x0], $0xffff;
	(xrf1) =	vsort.dscd.msk.f32 $0xffff, v11, v11;
	v11 =	vmax.f32 v14, v18;
	_ =	sdelay $0x1  }
0x1fd: {  	v21, _, _ =	vpop (xrf1);
	(xrf1) =	vsort.ascd.msk.f32 $0xffff, v13, v13  }
0x1fe: {  	s25 =	simm.s32 $0x45B;
	v13 =	vmin.f32 v14, v18;
	(xrf1) =	vsort.dscd.msk.f32 $0xffff, v11, v11;
	v11, _, _ =	vpop (xrf1)  }
0x1ff: {  	s24 =	simm.s32 $0x37C;
	s20 =	smulhi.u32 $0x929CEBF5, s25;
	(xrf1) =	vsort.dscd.msk.f32 $0xffff, v13, v13;
	v13 =	vsub.f32 v19, v17;
	v14 =	vmin.f32 v21, v11  }
0x200: {  	s19 =	smulhi.u32 $0x929CEBF5, s24;
	(xrf1) =	vsort.ascd.msk.f32 $0xffff, v14, v14;
	v14 =	vsub.f32 v15, v12  }
0x201: {  	s23 =	simm.s32 $0x1;
	s28 =	sshrl.u32 s20, $0x8;
	v11 =	vmax.f32 v21, v11;
	v13 =	vmul.f32 s21, v13  }
0x202: {  	s26 =	sshrl.u32 s19, $0x8;
	s19 =	smin.u32 s28, $0xDE;
	v15 =	vmov s23;
	(xrf1) =	vsort.ascd.msk.f32 $0xffff, v11, v11;
	v14 =	vmul.f32 s21, v14  }
0x203: {  	s29 =	sadd.s32 $0x1, s19;
	v15 =	vand.u32 $0x1FF, v15;
	v13 =	vadd.f32 v13, v17  }
0x204: {  	v31 =	vadd.s32 s29, v3;
	v21, _, _ =	vpop (xrf1);
	v19 =	vadd.s32 v2, v15;
	v12 =	vadd.f32 v14, v12  }
0x205: {  	v18 =	vmax.f32 v22, v26;
	v23, _, _ =	vpop (xrf1);
	v11 =	vmin.f32 v22, v26;
	v17 =	vadd.s32 v7, v15  }
0x206: {  	v22 =	vmin.f32 v20, v16;
	v16 =	vmax.f32 v20, v16;
	v14 =	vadd.s32 v8, v15;
	v15, _, _ =	vpop (xrf1)  }
0x207: {  	v20 =	vmov s26;
	v24 =	vmax.f32 v11, v22;
	v11 =	vmin.f32 v11, v22;
	(xrf1) =	vsort.dscd.msk.f32 $0xffff, v13, v13;
	v13, _, _ =	vpop (xrf1)  }
0x208: {  	v36 =	vadd.s32 s29, v4;
	v25 =	vmov s28;
	v20 =	vand.u32 $0x1FF, v20;
	(xrf1) =	vsort.ascd.msk.f32 $0xffff, v12, v12;
	v12, _, _ =	vpop (xrf1)  }
0x209: {  	s30 =	smin.u32 s26, $0xDE;
	[tilespmem:v19+s12+$0x0] =	vst.idx.msk $0xffff, v23;
	(xrf1) =	vsort.dscd.msk.f32 $0xffff, v24, v24;
	v23 =	vadd.s32 v0, v20;
	v24 =	vand.u32 $0x1FF, v25;
	v19, _, _ =	vpop (xrf1)  }
0x20a: {  	s19 =	sadd.s32 $0x1, s30;
	[tilespmem:v17+s12+$0x0] =	vst.idx.msk $0xffff, v15;
	(xrf1) =	vsort.dscd.msk.f32 $0xffff, v11, v11;
	v15 =	vadd.s32 v0, v24;
	v11, _, _ =	vpop (xrf1)  }
0x20b: {  	v35 =	vadd.s32 s19, v1;
	v31 =	vld.idx.msk [tilespmem:v31+s11+$0x0], $0xffff;
	v22 =	vmax.f32 v18, v16;
	[tilespmem:v14+s12+$0x0] =	vst.idx.msk $0xffff, v13;
	v13 =	vadd.s32 s29, v0;
	v14, _, _ =	vpop (xrf1)  }
0x20c: {  	s31 =	simm.s32 $0x45B;
	v16 =	vmin.f32 v18, v16;
	v27 =	vadd.s32 v3, v20;
	(xrf1) =	vsort.dscd.msk.f32 $0xffff, v22, v22;
	v22 =	vadd.s32 s19, v0;
	v18, _, _ =	vpop (xrf1)  }
0x20d: {  	s22 =	smulhi.u32 $0x929CEBF5, s31;
	v36 =	vld.idx.msk [tilespmem:v36+s11+$0x0], $0xffff;
	v28 =	vadd.s32 v4, v20;
	v25 =	vadd.s32 s29, v1;
	v29 =	vadd.s32 v3, v24;
	v26, _, _ =	vpop (xrf1)  }
0x20e: {  	v17 =	vmax.f32 v21, v12;
	(xrf1) =	vsort.dscd.msk.f32 $0xffff, v16, v16;
	v16 =	vadd.s32 v1, v24;
	v23 =	vld.idx.msk [tilespmem:v23+s11+$0x0], $0xffff;
	v30, _, _ =	vpop (xrf1)  }
0x20f: {  	s22 =	sshrl.u32 s22, $0x8;
	v54 =	vadd.s32 v4, v24;
	(xrf1) =	vsort.dscd.msk.f32 $0xffff, v17, v17;
	v15 =	vld.idx.msk [tilespmem:v15+s11+$0x0], $0xffff;
	v33 =	vmin.f32 v14, v18;
	v34, _, _ =	vpop (xrf1)  }
0x210: {  	s22 =	smul.u32 $0x1BF, s22;
	v17 =	vadd.s32 v1, v20;
	v14 =	vmax.f32 v14, v18;
	v13 =	vld.idx.msk [tilespmem:v13+s11+$0x0], $0xffff;
	(xrf1) =	vsort.ascd.msk.f32 $0xffff, v33, v33;
	v18, _, _ =	vpop (xrf1)  }
0x211: {  	v22 =	vld.idx.msk [tilespmem:v22+s11+$0x0], $0xffff;
	(xrf1) =	vsort.ascd.msk.f32 $0xffff, v14, v14;
	v55 =	vmax.f32 v26, v34;
	v37 =	vmax.f32 v30, v18  }
0x212: {  	s22 =	ssub.s32 $0x37C, s22;
	v14 =	vld.idx.msk [tilespmem:v25+s11+$0x0], $0xffff;
	v25 =	vmin.f32 v26, v34;
	v18 =	vmin.f32 v30, v18;
	v26 =	vmax.f32 v55, v37  }
0x213: {  	s22 =	sadd.s32 $0xDF, s22;
	v16 =	vld.idx.msk [tilespmem:v16+s11+$0x0], $0xffff;
	v38 =	vmax.f32 v25, v18;
	v18 =	vmin.f32 v25, v18;
	(xrf1) =	vsort.dscd.msk.f32 $0xffff, v26, v26  }
0x214: {  	s22 =	scvt.s32.f32 s22;
	v12 =	vmin.f32 v21, v12;
	v21 =	vmax.f32 v19, v11;
	v29 =	vld.idx.msk [tilespmem:v29+s11+$0x0], $0xffff;
	(xrf1) =	vsort.dscd.msk.f32 $0xffff, v38, v38  }
0x215: {  	v11 =	vmin.f32 v19, v11;
	v32 =	vld.idx.msk [tilespmem:v54+s11+$0x0], $0xffff;
	v33 =	vmin.f32 v55, v37;
	v25, _, _ =	vpop (xrf1);
	(xrf1) =	vsort.dscd.msk.f32 $0xffff, v18, v18  }
0x216: {  	s22 =	smul.f32 $2.237136480e-03, s22;
	v30 =	vadd.s32 s19, v3;
	v26 =	vadd.s32 v5, v20;
	v13 =	vsub.f32 v13, v15;
	v18, _, _ =	vpop (xrf1);
	(xrf1) =	vsort.dscd.msk.f32 $0xffff, v33, v33  }
0x217: {  	s21 =	smul.u32 $0xFFFFFE41, s26;
	v20 =	vadd.s32 v6, v20;
	v22 =	vsub.f32 v22, v23;
	v57, _, _ =	vpop (xrf1);
	(xrf1) =	vsort.dscd.msk.f32 $0xffff, v12, v12  }
0x218: {  	v56 =	vadd.s32 s19, v4;
	v14 =	vsub.f32 v14, v16;
	v13 =	vmul.f32 s22, v13;
	v12 =	vld.idx.msk [tilespmem:v17+s11+$0x0], $0xffff;
	(xrf1) =	vsort.ascd.msk.f32 $0xffff, v11, v11  }
0x219: {  	s21 =	sadd.s32 $0x37C, s21;
	v19 =	vmax.f32 v25, v18;
	v17 =	vld.idx.msk [tilespmem:v27+s11+$0x0], $0xffff;
	(xrf1) =	vsort.ascd.msk.f32 $0xffff, v21, v21;
	v21 =	vsub.f32 v31, v29  }
0x21a: {  	s21 =	scvt.s32.f32 s21;
	v18 =	vmin.f32 v25, v18;
	v25, _, _ =	vpop (xrf1);
	v9 =	vmax.f32 v57, v9;
	v27 =	vadd.s32 v5, v24;
	v11 =	vld.idx.msk [tilespmem:v35+s11+$0x0], $0xffff  }
0x21b: {  	v14 =	vmul.f32 s22, v14;
	v10 =	vmax.f32 v25, v10;
	v25 =	vld.idx.msk [tilespmem:v30+s11+$0x0], $0xffff;
	v30 =	vsub.f32 v36, v32  }
0x21c: {  	v58 =	vadd.s32 s29, v6;
	s23 =	smul.f32 $2.237136480e-03, s21;
	v13 =	vadd.f32 v13, v15;
	v31, _, _ =	vpop (xrf1);
	(xrf1) =	vsort.ascd.msk.f32 $0xffff, v18, v18;
	v18 =	vld.idx.msk [tilespmem:v28+s11+$0x0], $0xffff;
	v15 =	vmul.f32 s22, v21  }
0x21d: {  	v14 =	vadd.f32 v14, v16;
	v28 =	vadd.s32 s29, v5;
	v16 =	vmul.f32 s22, v30;
	v30 =	vld.idx.msk [tilespmem:v56+s11+$0x0], $0xffff;
	v21, _, _ =	vpop (xrf1);
	(xrf1) =	vsort.ascd.msk.f32 $0xffff, v19, v19  }
0x21e: {  	v22 =	vmul.f32 s23, v22;
	v19 =	vadd.s32 v6, v24;
	v15 =	vadd.f32 v15, v29;
	v24, _, _ =	vpop (xrf1);
	(xrf1) =	vsort.dscd.msk.f32 $0xffff, v13, v13  }
0x21f: {  	v16 =	vadd.f32 v16, v32;
	v27 =	vld.idx.msk [tilespmem:v27+s11+$0x0], $0xffff;
	v11 =	vsub.f32 v11, v12;
	v29, _, _ =	vpop (xrf1);
	(xrf1) =	vsort.ascd.msk.f32 $0xffff, v14, v14  }
0x220: {  	v13 =	vadd.s32 s19, v5;
	v60 =	vmax.f32 v21, v10;
	v10 =	vmin.f32 v21, v10;
	v59, _, _ =	vpop (xrf1);
	(xrf1) =	vsort.dscd.msk.f32 $0xffff, v15, v15  }
0x221: {  	v21 =	vadd.f32 v22, v23;
	v23 =	vld.idx.msk [tilespmem:v58+s11+$0x0], $0xffff;
	v14 =	vmax.f32 v31, v9;
	v11 =	vmul.f32 s23, v11;
	v61, _, _ =	vpop (xrf1)  }
0x222: {  	v28 =	vld.idx.msk [tilespmem:v28+s11+$0x0], $0xffff;
	v22 =	vsub.f32 v30, v18;
	(xrf1) =	vsort.ascd.msk.f32 $0xffff, v16, v16;
	v16 =	vsub.f32 v25, v17;
	v25, _, _ =	vpop (xrf1)  }
0x223: {  	v9 =	vmin.f32 v31, v9;
	v15 =	vadd.s32 s19, v6;
	v11 =	vadd.f32 v11, v12;
	v19 =	vld.idx.msk [tilespmem:v19+s11+$0x0], $0xffff;
	v30, _, _ =	vpop (xrf1)  }
0x224: {  	v22 =	vmul.f32 s23, v22;
	(xrf1) =	vsort.dscd.msk.f32 $0xffff, v21, v21;
	v12 =	vmax.f32 v25, v29;
	v25 =	vmax.f32 v30, v59;
	v29, _, _ =	vpop (xrf1)  }
0x225: {  	v26 =	vld.idx.msk [tilespmem:v26+s11+$0x0], $0xffff;
	v21 =	vmax.f32 v61, v12;
	v12 =	vmin.f32 v61, v12;
	v30 =	vmax.f32 v29, v25  }
0x226: {  	v31 =	vld.idx.msk [tilespmem:v13+s11+$0x0], $0xffff;
	v25 =	vmin.f32 v29, v25;
	v13 =	vmax.f32 v21, v30;
	v21 =	vmin.f32 v21, v30  }
0x227: {  	v16 =	vmul.f32 s23, v16;
	v29, _, _ =	vpop (xrf1);
	v12 =	vmax.f32 v12, v25;
	(xrf1) =	vsort.dscd.msk.f32 $0xffff, v13, v13;
	v13 =	vsub.f32 v28, v27  }
0x228: {  	v20 =	vld.idx.msk [tilespmem:v20+s11+$0x0], $0xffff;
	v18 =	vadd.f32 v22, v18;
	v28, _, _ =	vpop (xrf1);
	(xrf1) =	vsort.dscd.msk.f32 $0xffff, v21, v21;
	v21 =	vsub.f32 v23, v19  }
0x229: {  	v16 =	vadd.f32 v16, v17;
	v15 =	vld.idx.msk [tilespmem:v15+s11+$0x0], $0xffff;
	v17, _, _ =	vpop (xrf1);
	(xrf1) =	vsort.dscd.msk.f32 $0xffff, v12, v12;
	v23 =	vmul.f32 s22, v13  }
0x22a: {  	v12, _, _ =	vpop (xrf1);
	(xrf1) =	vsort.ascd.msk.f32 $0xffff, v11, v11;
	v11 =	vmul.f32 s22, v21  }
0x22b: {  	v22 =	vsub.f32 v31, v26;
	v13, _, _ =	vpop (xrf1);
	(xrf1) =	vsort.dscd.msk.f32 $0xffff, v16, v16;
	v16 =	vadd.f32 v23, v27  }
0x22c: {  	(xrf1) =	vsort.ascd.msk.f32 $0xffff, v18, v18;
	v11 =	vadd.f32 v11, v19;
	v18, _, _ =	vpop (xrf1)  }
0x22d: {  	v22 =	vmul.f32 s23, v22;
	v23 =	vmax.f32 v24, v28;
	v19 =	vmin.f32 v24, v28;
	v24, _, _ =	vpop (xrf1);
	(xrf1) =	vsort.dscd.msk.f32 $0xffff, v16, v16  }
0x22e: {  	v31 =	vmax.f32 v9, v10;
	v27, _, _ =	vpop (xrf1);
	(xrf1) =	vsort.ascd.msk.f32 $0xffff, v11, v11;
	v11 =	vsub.f32 v15, v20  }
0x22f: {  	s24 =	simm.s32 $0x3;
	v21 =	vmax.f32 v14, v60;
	v22 =	vadd.f32 v22, v26;
	v25 =	vmax.f32 v18, v24  }
0x230: {  	v15 =	vmov s24;
	v18 =	vmin.f32 v18, v24;
	(xrf1) =	vsort.dscd.msk.f32 $0xffff, v25, v25;
	v24, _, _ =	vpop (xrf1);
	v11 =	vmul.f32 s23, v11  }
0x231: {  	v16 =	vmin.f32 v29, v17;
	v15 =	vand.u32 $0x1FF, v15;
	v28 =	vmin.f32 v27, v24  }
0x232: {  	s21 =	simm.s32 $0x53A;
	(xrf1) =	vsort.dscd.msk.f32 $0xffff, v18, v18;
	v18 =	vadd.s32 v2, v15;
	v11 =	vadd.f32 v11, v20  }
0x233: {  	s25 =	smulhi.u32 $0x929CEBF5, s21;
	v24 =	vmax.f32 v27, v24;
	v26 =	vadd.s32 v7, v15;
	(xrf1) =	vsort.ascd.msk.f32 $0xffff, v28, v28  }
0x234: {  	v17 =	vmax.f32 v29, v17;
	v15 =	vadd.s32 v8, v15;
	(xrf1) =	vsort.ascd.msk.f32 $0xffff, v24, v24  }
0x235: {  	s19 =	sshrl.u32 s25, $0x8;
	v25 =	vmax.f32 v19, v16;
	v16 =	vmin.f32 v19, v16;
	v20, _, _ =	vpop (xrf1);
	(xrf1) =	vsort.dscd.msk.f32 $0xffff, v22, v22  }
0x236: {  	s26 =	simm.s32 $0x619;
	s29 =	smin.u32 s19, $0xDE;
	v14 =	vmin.f32 v14, v60;
	v19 =	vmax.f32 v23, v17;
	(xrf1) =	vsort.ascd.msk.f32 $0xffff, v11, v11;
	v11, _, _ =	vpop (xrf1)  }
0x237: {  	s28 =	smulhi.u32 $0x929CEBF5, s26;
	s30 =	sadd.s32 $0x1, s29;
	v17 =	vmin.f32 v23, v17;
	(xrf1) =	vsort.dscd.msk.f32 $0xffff, v25, v25;
	[tilespmem:v18+s12+$0x0] =	vst.idx.msk $0xffff, v11;
	v9, _, _ =	vpop (xrf1)  }
0x238: {  	v28 =	vadd.s32 s30, v0;
	v24 =	vadd.s32 s30, v3;
	(xrf1) =	vsort.dscd.msk.f32 $0xffff, v16, v16;
	[tilespmem:v26+s12+$0x0] =	vst.idx.msk $0xffff, v9;
	v16, _, _ =	vpop (xrf1)  }
0x239: {  	v22 =	vmov s18;
	s18 =	sshrl.u32 s28, $0x8;
	v18 =	vmov s19;
	(xrf1) =	vsort.dscd.msk.f32 $0xffff, v19, v19;
	v29, _, _ =	vpop (xrf1);
	[tilespmem:v15+s12+$0x0] =	vst.idx.msk $0xffff, v16  }
0x23a: {  	v15 =	vand.u32 $0x1FF, v18;
	v16 =	vmov s18;
	v19 =	vmax.f32 v20, v29;
	v30, _, _ =	vpop (xrf1);
	(xrf1) =	vsort.dscd.msk.f32 $0xffff, v17, v17  }
0x23b: {  	v10 =	vand.u32 $0x1FE, v22;
	s18 =	smin.u32 s18, $0xDE;
	v62 =	vadd.s32 v0, v15;
	v18 =	vand.u32 $0x1FF, v16;
	v32, _, _ =	vpop (xrf1);
	(xrf1) =	vsort.dscd.msk.f32 $0xffff, v19, v19  }
0x23c: {  	v22 =	vadd.s32 s30, v4;
	v11 =	vadd.s32 v2, v10;
	s25 =	sadd.s32 $0x1, s18;
	v63 =	vadd.s32 v0, v18;
	v43, _, _ =	vpop (xrf1);
	(xrf1) =	vsort.dscd.msk.f32 $0xffff, v21, v21  }
0x23d: {  	s19 =	smul.u32 $0xFFFFFE41, s19;
	v9 =	vadd.s32 v7, v10;
	v27 =	vadd.s32 v1, v15;
	v42 =	vadd.s32 s25, v0;
	v44, _, _ =	vpop (xrf1);
	(xrf1) =	vsort.dscd.msk.f32 $0xffff, v14, v14  }
0x23e: {  	v26 =	vadd.s32 s30, v1;
	v25 =	vadd.s32 v3, v15;
	v36 =	vadd.s32 v1, v18;
	v35, _, _ =	vpop (xrf1);
	(xrf1) =	vsort.dscd.msk.f32 $0xffff, v31, v31  }
0x23f: {  	s31 =	sadd.s32 $0x53A, s19;
	v23 =	vadd.s32 v4, v15;
	v17 =	vadd.s32 v5, v15;
	v37 =	vadd.s32 s25, v1  }
0x240: {  	s23 =	simm.s32 $0x619;
	s19 =	scvt.s32.f32 s31;
	v16 =	vadd.s32 s30, v5;
	v15 =	vadd.s32 v6, v15;
	v38 =	vadd.s32 v3, v18;
	v19 =	vld.idx.msk [tilespmem:v62+s11+$0x0], $0xffff;
	v40, _, _ =	vpop (xrf1)  }
0x241: {  	s20 =	simm.s32 $0x2;
	s24 =	simm.s32 $0x8;
	s26 =	smulhi.u32 $0x929CEBF5, s23;
	v33 =	vadd.s32 v4, v18;
	v39 =	vadd.s32 s25, v3;
	v45 =	vmin.f32 v43, v44;
	v31 =	vld.idx.msk [tilespmem:v63+s11+$0x0], $0xffff;
	v41, _, _ =	vpop (xrf1)  }
0x242: {  	s18 =	simm.s32 $0x4;
	v34 =	vadd.s32 s25, v4;
	s22 =	smul.f32 $2.237136480e-03, s19;
	s19 =	simm.s32 $0x6;
	v14 =	vadd.s32 s30, v6;
	v43 =	vmax.f32 v43, v44;
	v21 =	vld.idx.msk [tilespmem:v42+s11+$0x0], $0xffff;
	v42, _, _ =	vpop (xrf1);
	(xrf1) =	vsort.ascd.msk.f32 $0xffff, v45, v45  }
.LBB2_6:
0x243: {  	p1 =	slt.u32 s24, $0x1BE;
	v36 =	vld.idx.msk [tilespmem:v36+s11+$0x0], $0xffff;
	v44 =	vmax.f32 v35, v41;
	v45 =	vmax.f32 v40, v42;
	v46, _, _ =	vpop (xrf1);
	(xrf1) =	vsort.ascd.msk.f32 $0xffff, v43, v43  }
0x244: {  	v35 =	vmin.f32 v35, v41;
	v40 =	vmin.f32 v40, v42;
	s26 =	sshrl.u32 s26, $0x8;
	v37 =	vld.idx.msk [tilespmem:v37+s11+$0x0], $0xffff;
	v43 =	vmax.f32 v44, v45;
	v42, _, _ =	vpop (xrf1)  }
0x245: {  	v20 =	vmin.f32 v20, v29;
	v47 =	vmax.f32 v35, v40;
	s26 =	smul.u32 $0x1BF, s26;
	v38 =	vld.idx.msk [tilespmem:v38+s11+$0x0], $0xffff;
	(xrf1) =	vsort.dscd.msk.f32 $0xffff, v43, v43;
	v41, _, _ =	vpop (xrf1)  }
0x246: {  	v40 =	vmin.f32 v35, v40;
	v43 =	vmax.f32 v30, v32;
	v39 =	vld.idx.msk [tilespmem:v39+s11+$0x0], $0xffff;
	(xrf1) =	vsort.dscd.msk.f32 $0xffff, v47, v47;
	v29, _, _ =	vpop (xrf1)  }
0x247: {  	v44 =	vmin.f32 v44, v45;
	v30 =	vmin.f32 v30, v32;
	s26 =	ssub.s32 s21, s26;
	v33 =	vld.idx.msk [tilespmem:v33+s11+$0x0], $0xffff;
	(xrf1) =	vsort.dscd.msk.f32 $0xffff, v40, v40;
	v35, _, _ =	vpop (xrf1)  }
0x248: {  	v40 =	vmax.f32 v46, v42;
	v42 =	vmin.f32 v46, v42;
	s26 =	sadd.s32 $0xDF, s26;
	v34 =	vld.idx.msk [tilespmem:v34+s11+$0x0], $0xffff;
	(xrf1) =	vsort.dscd.msk.f32 $0xffff, v44, v44;
	v32, _, _ =	vpop (xrf1)  }
0x249: {  	v12 =	vmax.f32 v41, v12;
	v13 =	vmax.f32 v29, v13;
	v44 =	vld.idx.msk [tilespmem:v28+s11+$0x0], $0xffff;
	s26 =	scvt.s32.f32 s26;
	v45, _, _ =	vpop (xrf1);
	(xrf1) =	vsort.dscd.msk.f32 $0xffff, v20, v20  }
0x24a: {  	v28 =	vmax.f32 v32, v13;
	v20 =	vld.idx.msk [tilespmem:v27+s11+$0x0], $0xffff;
	(xrf1) =	vsort.ascd.msk.f32 $0xffff, v30, v30;
	v27 =	vmax.f32 v35, v12;
	v30, _, _ =	vpop (xrf1)  }
0x24b: {  	v46 =	vsub.f32 v21, v31;
	v29 =	vmin.f32 v35, v12;
	v41 =	vld.idx.msk [tilespmem:v26+s11+$0x0], $0xffff;
	s26 =	smul.f32 $2.237136480e-03, s26;
	(xrf1) =	vsort.ascd.msk.f32 $0xffff, v43, v43;
	v26, _, _ =	vpop (xrf1)  }
0x24c: {  	v35 =	vsub.f32 v37, v36;
	v12 =	vld.idx.msk [tilespmem:v25+s11+$0x0], $0xffff;
	(xrf1) =	vsort.ascd.msk.f32 $0xffff, v42, v42;
	v25 =	vmin.f32 v32, v13;
	v21, _, _ =	vpop (xrf1)  }
0x24d: {  	v37 =	vadd.s32 v5, v18;
	v32 =	vsub.f32 v39, v38;
	v13 =	vld.idx.msk [tilespmem:v24+s11+$0x0], $0xffff;
	v24 =	vmul.f32 s26, v46  }
0x24e: {  	v39 =	vadd.s32 s25, v5;
	v35 =	vmul.f32 s26, v35;
	v34 =	vsub.f32 v34, v33;
	v23 =	vld.idx.msk [tilespmem:v23+s11+$0x0], $0xffff;
	(xrf1) =	vsort.ascd.msk.f32 $0xffff, v40, v40  }
0x24f: {  	v18 =	vadd.s32 v6, v18;
	v22 =	vld.idx.msk [tilespmem:v22+s11+$0x0], $0xffff;
	v40 =	vadd.f32 v24, v31;
	v31 =	vmul.f32 s26, v32  }
0x250: {  	v32 =	vadd.f32 v35, v36;
	v34 =	vmul.f32 s26, v34;
	v35 =	vadd.s32 s25, v6;
	v17 =	vld.idx.msk [tilespmem:v17+s11+$0x0], $0xffff;
	v36, _, _ =	vpop (xrf1);
	[tilespmem:v11+s12+$0x0] =	vst.idx.msk $0xffff, v30  }
0x251: {  	v11 =	vsub.f32 v44, v19;
	v30 =	vld.idx.msk [tilespmem:v16+s11+$0x0], $0xffff;
	v16 =	vadd.f32 v31, v38;
	(xrf1) =	vsort.dscd.msk.f32 $0xffff, v40, v40;
	v24, _, _ =	vpop (xrf1)  }
0x252: {  	v31 =	vsub.f32 v41, v20;
	v38 =	vadd.f32 v34, v33;
	v34 =	vld.idx.msk [tilespmem:v37+s11+$0x0], $0xffff;
	(xrf1) =	vsort.ascd.msk.f32 $0xffff, v32, v32  }
0x253: {  	v11 =	vmul.f32 s22, v11;
	v13 =	vsub.f32 v13, v12;
	v32 =	vld.idx.msk [tilespmem:v39+s11+$0x0], $0xffff;
	(xrf1) =	vsort.dscd.msk.f32 $0xffff, v16, v16;
	v37, _, _ =	vpop (xrf1)  }
0x254: {  	v31 =	vmul.f32 s22, v31;
	v16 =	vmax.f32 v27, v28;
	v18 =	vld.idx.msk [tilespmem:v18+s11+$0x0], $0xffff;
	(xrf1) =	vsort.ascd.msk.f32 $0xffff, v38, v38;
	v33, _, _ =	vpop (xrf1)  }
0x255: {  	v11 =	vadd.f32 v11, v19;
	v13 =	vmul.f32 s22, v13;
	v19 =	vsub.f32 v22, v23;
	v22 =	vld.idx.msk [tilespmem:v35+s11+$0x0], $0xffff;
	v35, _, _ =	vpop (xrf1)  }
0x256: {  	v20 =	vadd.f32 v31, v20;
	v39 =	vmax.f32 v33, v36;
	v15 =	vld.idx.msk [tilespmem:v15+s11+$0x0], $0xffff;
	v24 =	vmax.f32 v35, v24;
	v33, _, _ =	vpop (xrf1)  }
0x257: {  	v19 =	vmul.f32 s22, v19;
	(xrf1) =	vsort.dscd.msk.f32 $0xffff, v11, v11;
	v11 =	vmax.f32 v37, v39;
	v35 =	vmax.f32 v33, v24;
	v36, _, _ =	vpop (xrf1)  }
0x258: {  	v38 =	vadd.f32 v13, v12;
	v37 =	vmin.f32 v37, v39;
	v14 =	vld.idx.msk [tilespmem:v14+s11+$0x0], $0xffff;
	v13 =	vmax.f32 v11, v35;
	v31, _, _ =	vpop (xrf1)  }
0x259: {  	v24 =	vmin.f32 v33, v24;
	v11 =	vmin.f32 v11, v35;
	v33, _, _ =	vpop (xrf1);
	(xrf1) =	vsort.dscd.msk.f32 $0xffff, v13, v13  }
0x25a: {  	v32 =	vsub.f32 v32, v34;
	v24 =	vmax.f32 v37, v24;
	v12, _, _ =	vpop (xrf1);
	(xrf1) =	vsort.dscd.msk.f32 $0xffff, v11, v11  }
0x25b: {  	v11 =	vadd.f32 v19, v23;
	v19 =	vsub.f32 v22, v18;
	(xrf1) =	vsort.dscd.msk.f32 $0xffff, v24, v24  }
0x25c: {  	v22 =	vsub.f32 v30, v17;
	v23 =	vmul.f32 s26, v32;
	(xrf1) =	vsort.ascd.msk.f32 $0xffff, v20, v20;
	v20 =	vmin.f32 v45, v31;
	v13, _, _ =	vpop (xrf1)  }
0x25d: {  	v30 =	vmin.f32 v36, v33;
	v24 =	vmax.f32 v45, v31;
	v19 =	vmul.f32 s26, v19;
	(xrf1) =	vsort.dscd.msk.f32 $0xffff, v38, v38  }
0x25e: {  	v22 =	vmul.f32 s22, v22;
	v23 =	vadd.f32 v23, v34;
	v14 =	vsub.f32 v14, v15;
	(xrf1) =	vsort.ascd.msk.f32 $0xffff, v11, v11  }
0x25f: {  	v11 =	vadd.f32 v19, v18;
	v19 =	vmax.f32 v20, v30;
	v30 =	vmin.f32 v20, v30;
	v18, _, _ =	vpop (xrf1)  }
0x260: {  	v17 =	vadd.f32 v22, v17;
	v22 =	vmax.f32 v36, v33;
	v14 =	vmul.f32 s22, v14;
	s22 =	sadd.s32 $0x1, s18;
	v20, _, _ =	vpop (xrf1);
	(xrf1) =	vsort.dscd.msk.f32 $0xffff, v23, v23  }
0x261: {  	v32 =	vmax.f32 v24, v22;
	v23 =	vmax.f32 v18, v20;
	v31, _, _ =	vpop (xrf1);
	(xrf1) =	vsort.ascd.msk.f32 $0xffff, v11, v11;
	v11 =	vmov s22  }
0x262: {  	v14 =	vadd.f32 v14, v15;
	v15 =	vmin.f32 v18, v20;
	(xrf1) =	vsort.dscd.msk.f32 $0xffff, v23, v23;
	v18, _, _ =	vpop (xrf1);
	v11 =	vand.u32 $0x1FF, v11  }
0x263: {  	v33 =	vmin.f32 v31, v18;
	(xrf1) =	vsort.dscd.msk.f32 $0xffff, v15, v15;
	v15 =	vadd.s32 v2, v11  }
0x264: {  	v18 =	vmax.f32 v31, v18;
	v23 =	vadd.s32 v7, v11;
	(xrf1) =	vsort.ascd.msk.f32 $0xffff, v33, v33  }
0x265: {  	s21 =	sadd.s32 $0x1BE, s21;
	v20, _, _ =	vpop (xrf1);
	(xrf1) =	vsort.ascd.msk.f32 $0xffff, v18, v18;
	v18 =	vmin.f32 v24, v22;
	v22 =	vadd.s32 v8, v11  }
0x266: {  	s22 =	smulhi.u32 $0x929CEBF5, s21;
	v31 =	vmax.f32 v29, v25;
	v11 =	vmov s20;
	s20 =	smov.u32 s18;
	s18 =	smov.u32 s19;
	(xrf1) =	vsort.dscd.msk.f32 $0xffff, v17, v17;
	v17 =	vmin.f32 v27, v28  }
0x267: {  	s25 =	sadd.s32 $0xDF, s21;
	s19 =	smov.u32 s24;
	v44 =	vand.u32 $0x1FE, v11;
	(xrf1) =	vsort.ascd.msk.f32 $0xffff, v14, v14;
	v14, _, _ =	vpop (xrf1);
	[tilespmem:v9+s12+$0x0] =	vst.idx.msk $0xffff, v26  }
0x268: {  	s25 =	smulhi.u32 $0x929CEBF5, s25;
	s22 =	sshrl.u32 s22, $0x8;
	v11 =	vadd.s32 v2, v44;
	[tilespmem:v15+s12+$0x0] =	vst.idx.msk $0xffff, v14;
	(xrf1) =	vsort.dscd.msk.f32 $0xffff, v19, v19;
	v9, _, _ =	vpop (xrf1)  }
0x269: {  	s26 =	smul.u32 $0xFFFFFE41, s22;
	[tilespmem:v23+s12+$0x0] =	vst.idx.msk $0xffff, v9;
	(xrf1) =	vsort.dscd.msk.f32 $0xffff, v30, v30;
	v14, _, _ =	vpop (xrf1);
	v9 =	vadd.s32 v7, v44  }
0x26a: {  	v10 =	vadd.s32 v8, v10;
	s28 =	smin.u32 s22, $0xDE;
	v15 =	vmov s22;
	s22 =	sshrl.u32 s25, $0x8;
	v29, _, _ =	vpop (xrf1);
	[tilespmem:v22+s12+$0x0] =	vst.idx.msk $0xffff, v14;
	(xrf1) =	vsort.dscd.msk.f32 $0xffff, v32, v32  }
0x26b: {  	s28 =	sadd.s32 $0x1, s28;
	s25 =	sadd.s32 s26, s21;
	v14 =	vand.u32 $0x1FF, v15;
	v15 =	vmov s22;
	v19 =	vmax.f32 v20, v29;
	v30, _, _ =	vpop (xrf1);
	(xrf1) =	vsort.dscd.msk.f32 $0xffff, v18, v18  }
0x26c: {  	v28 =	vadd.s32 s28, v0;
	s26 =	scvt.s32.f32 s25;
	s22 =	smin.u32 s22, $0xDE;
	v33 =	vadd.s32 v0, v14;
	v18 =	vand.u32 $0x1FF, v15;
	(xrf1) =	vsort.dscd.msk.f32 $0xffff, v19, v19;
	v32, _, _ =	vpop (xrf1)  }
0x26d: {  	v26 =	vadd.s32 s28, v1;
	v27 =	vadd.s32 v1, v14;
	s25 =	sadd.s32 $0x1, s22;
	v34 =	vadd.s32 v0, v18;
	(xrf1) =	vsort.dscd.msk.f32 $0xffff, v16, v16  }
0x26e: {  	v24 =	vadd.s32 s28, v3;
	v25 =	vadd.s32 v3, v14;
	s22 =	smul.f32 $2.237136480e-03, s26;
	v42 =	vadd.s32 s25, v0;
	v43, _, _ =	vpop (xrf1);
	(xrf1) =	vsort.dscd.msk.f32 $0xffff, v17, v17  }
.Ltmp1:
0x26f: {  	v22 =	vadd.s32 s28, v4;
	v23 =	vadd.s32 v4, v14;
	v36 =	vadd.s32 v1, v18;
	v45, _, _ =	vpop (xrf1);
	(xrf1) =	vsort.dscd.msk.f32 $0xffff, v31, v31;
	(pc) =	sbr.rel @p1 .LBB2_6-.Ltmp1, $4  }
0x270: {  	v37 =	vadd.s32 s25, v1;
	v16 =	vadd.s32 s28, v5;
	v17 =	vadd.s32 v5, v14;
	v35, _, _ =	vpop (xrf1);
	[tilespmem:v10+s12+$0x0] =	vst.idx.msk $0xffff, v21  }
0x271: {  	v15 =	vadd.s32 v6, v14;
	v38 =	vadd.s32 v3, v18;
	v14 =	vadd.s32 s28, v6;
	v19 =	vld.idx.msk [tilespmem:v33+s11+$0x0], $0xffff;
	v40, _, _ =	vpop (xrf1)  }
0x272: {  	s23 =	sadd.s32 $0x1BE, s23;
	v39 =	vadd.s32 s25, v3;
	v46 =	vmin.f32 v43, v45;
	v33 =	vadd.s32 v4, v18;
	v31 =	vld.idx.msk [tilespmem:v34+s11+$0x0], $0xffff;
	v41, _, _ =	vpop (xrf1)  }
0x273: {  	s24 =	sadd.s32 $0x2, s24;
	s26 =	smulhi.u32 $0x929CEBF5, s23;
	v43 =	vmax.f32 v43, v45;
	v10 =	vmov v44;
	v34 =	vadd.s32 s25, v4;
	v21 =	vld.idx.msk [tilespmem:v42+s11+$0x0], $0xffff;
	v42, _, _ =	vpop (xrf1);
	(xrf1) =	vsort.ascd.msk.f32 $0xffff, v46, v46  }
0x274: {  	_ =	sdelay $0x3  }
0x275: {  	v36 =	vld.idx.msk [tilespmem:v36+s11+$0x0], $0xffff  }
0x276: {  	v44 =	vmax.f32 v35, v41;
	v45 =	vmax.f32 v40, v42;
	(xrf1) =	vsort.ascd.msk.f32 $0xffff, v43, v43;
	v37 =	vld.idx.msk [tilespmem:v37+s11+$0x0], $0xffff;
	s23 =	sshrl.u32 s26, $0x8  }
0x277: {  	v54 =	vmin.f32 v35, v41;
	v55 =	vmin.f32 v40, v42;
	v38 =	vld.idx.msk [tilespmem:v38+s11+$0x0], $0xffff;
	v56 =	vmax.f32 v44, v45;
	s23 =	smul.u32 $0x1BF, s23  }
0x278: {  	v39 =	vld.idx.msk [tilespmem:v39+s11+$0x0], $0xffff;
	v42 =	vmax.f32 v54, v55;
	(xrf1) =	vsort.dscd.msk.f32 $0xffff, v56, v56  }
0x279: {  	v33 =	vld.idx.msk [tilespmem:v33+s11+$0x0], $0xffff;
	v35 =	vmin.f32 v54, v55;
	(xrf1) =	vsort.dscd.msk.f32 $0xffff, v42, v42;
	s21 =	ssub.s32 s21, s23  }
0x27a: {  	v57, _, _ =	vpop (xrf1);
	v34 =	vld.idx.msk [tilespmem:v34+s11+$0x0], $0xffff;
	v58 =	vmin.f32 v44, v45;
	(xrf1) =	vsort.dscd.msk.f32 $0xffff, v35, v35;
	s21 =	sadd.s32 $0xDF, s21  }
0x27b: {  	v62 =	vld.idx.msk [tilespmem:v28+s11+$0x0], $0xffff;
	v59, _, _ =	vpop (xrf1);
	(xrf1) =	vsort.dscd.msk.f32 $0xffff, v58, v58;
	s21 =	scvt.s32.f32 s21  }
0x27c: {  	v20 =	vmin.f32 v20, v29;
	v43 =	vld.idx.msk [tilespmem:v27+s11+$0x0], $0xffff;
	v29, _, _ =	vpop (xrf1)  }
0x27d: {  	v60 =	vmax.f32 v30, v32;
	v61 =	vmin.f32 v30, v32;
	v49 =	vld.idx.msk [tilespmem:v26+s11+$0x0], $0xffff;
	v28, _, _ =	vpop (xrf1);
	v47 =	vsub.f32 v21, v31;
	s21 =	smul.f32 $2.237136480e-03, s21  }
0x27e: {  	v25 =	vld.idx.msk [tilespmem:v25+s11+$0x0], $0xffff;
	v52 =	vadd.s32 v5, v18;
	v27, _, _ =	vpop (xrf1);
	v50 =	vsub.f32 v37, v36;
	(xrf1) =	vsort.dscd.msk.f32 $0xffff, v20, v20  }
0x27f: {  	v24 =	vld.idx.msk [tilespmem:v24+s11+$0x0], $0xffff;
	v53 =	vadd.s32 s25, v5;
	v26, _, _ =	vpop (xrf1);
	v39 =	vsub.f32 v39, v38;
	(xrf1) =	vsort.ascd.msk.f32 $0xffff, v61, v61;
	v51 =	vmul.f32 s21, v47  }
0x280: {  	v48 =	vmin.f32 v57, v59;
	v34 =	vsub.f32 v34, v33;
	v40, _, _ =	vpop (xrf1);
	(xrf1) =	vsort.ascd.msk.f32 $0xffff, v60, v60;
	v35 =	vmul.f32 s21, v50  }
0x281: {  	v63 =	vmax.f32 v57, v59;
	v20, _, _ =	vpop (xrf1);
	(xrf1) =	vsort.ascd.msk.f32 $0xffff, v48, v48;
	v55 =	vmul.f32 s21, v39;
	v54 =	vadd.f32 v51, v31  }
0x282: {  	v23 =	vld.idx.msk [tilespmem:v23+s11+$0x0], $0xffff;
	v57 =	vadd.s32 s25, v6;
	v21, _, _ =	vpop (xrf1);
	(xrf1) =	vsort.ascd.msk.f32 $0xffff, v63, v63;
	v34 =	vmul.f32 s21, v34;
	v35 =	vadd.f32 v35, v36  }
0x283: {  	v22 =	vld.idx.msk [tilespmem:v22+s11+$0x0], $0xffff;
	v56 =	vadd.s32 v6, v18;
	v18, _, _ =	vpop (xrf1);
	v37 =	vadd.f32 v55, v38;
	(xrf1) =	vsort.dscd.msk.f32 $0xffff, v54, v54  }
0x284: {  	v32 =	vsub.f32 v62, v19;
	v61 =	vld.idx.msk [tilespmem:v53+s11+$0x0], $0xffff;
	v33 =	vadd.f32 v34, v33;
	v58, _, _ =	vpop (xrf1);
	(xrf1) =	vsort.ascd.msk.f32 $0xffff, v35, v35  }
0x285: {  	v30 =	vsub.f32 v49, v43;
	v60 =	vld.idx.msk [tilespmem:v52+s11+$0x0], $0xffff;
	v59, _, _ =	vpop (xrf1);
	(xrf1) =	vsort.dscd.msk.f32 $0xffff, v37, v37  }
0x286: {  	v32 =	vmul.f32 s22, v32;
	v62, _, _ =	vpop (xrf1);
	(xrf1) =	vsort.ascd.msk.f32 $0xffff, v33, v33  }
0x287: {  	v24 =	vsub.f32 v24, v25;
	v30 =	vmul.f32 s22, v30;
	v45 =	vld.idx.msk [tilespmem:v57+s11+$0x0], $0xffff;
	v42, _, _ =	vpop (xrf1)  }
0x288: {  	v22 =	vsub.f32 v22, v23;
	v44 =	vadd.f32 v32, v19;
	v63 =	vld.idx.msk [tilespmem:v56+s11+$0x0], $0xffff;
	v46, _, _ =	vpop (xrf1)  }
0x289: {  	v30 =	vadd.f32 v30, v43;
	v31 =	vmax.f32 v42, v58;
	v34 =	vmax.f32 v46, v59;
	v47, _, _ =	vpop (xrf1)  }
0x28a: {  	v37 =	vsub.f32 v61, v60;
	v48 =	vmax.f32 v62, v31;
	v49 =	vmax.f32 v47, v34  }
0x28b: {  	v15 =	vld.idx.msk [tilespmem:v15+s11+$0x0], $0xffff;
	(xrf1) =	vsort.dscd.msk.f32 $0xffff, v44, v44;
	v31 =	vmin.f32 v62, v31;
	v50 =	vmax.f32 v48, v49  }
0x28c: {  	v24 =	vmul.f32 s22, v24;
	v34 =	vmin.f32 v47, v34;
	v51, _, _ =	vpop (xrf1);
	v19 =	vmin.f32 v48, v49;
	(xrf1) =	vsort.dscd.msk.f32 $0xffff, v50, v50  }
0x28d: {  	v22 =	vmul.f32 s22, v22;
	v53 =	vsub.f32 v45, v63;
	v52, _, _ =	vpop (xrf1);
	v31 =	vmax.f32 v31, v34;
	(xrf1) =	vsort.dscd.msk.f32 $0xffff, v19, v19  }
0x28e: {  	v14 =	vld.idx.msk [tilespmem:v14+s11+$0x0], $0xffff;
	v24 =	vadd.f32 v24, v25;
	v56 =	vmul.f32 s21, v37;
	v55, _, _ =	vpop (xrf1);
	(xrf1) =	vsort.dscd.msk.f32 $0xffff, v31, v31  }
0x28f: {  	v57 =	vld.idx.msk [tilespmem:v16+s11+$0x0], $0xffff;
	v22 =	vadd.f32 v22, v23;
	v16, _, _ =	vpop (xrf1);
	v19 =	vmul.f32 s21, v53;
	(xrf1) =	vsort.ascd.msk.f32 $0xffff, v30, v30  }
0x290: {  	v54 =	vld.idx.msk [tilespmem:v17+s11+$0x0], $0xffff;
	v58 =	vadd.f32 v56, v60;
	v17, _, _ =	vpop (xrf1);
	(xrf1) =	vsort.dscd.msk.f32 $0xffff, v24, v24  }
0x291: {  	v19 =	vadd.f32 v19, v63;
	(xrf1) =	vsort.ascd.msk.f32 $0xffff, v22, v22;
	v59, _, _ =	vpop (xrf1)  }
0x292: {  	(xrf1) =	vsort.dscd.msk.f32 $0xffff, v58, v58;
	v60, _, _ =	vpop (xrf1)  }
0x293: {  	(xrf1) =	vsort.ascd.msk.f32 $0xffff, v19, v19;
	v61 =	vmax.f32 v59, v60;
	v62, _, _ =	vpop (xrf1)  }
0x294: {  	v14 =	vsub.f32 v14, v15;
	v63 =	vmin.f32 v59, v60;
	(xrf1) =	vsort.dscd.msk.f32 $0xffff, v61, v61;
	v31, _, _ =	vpop (xrf1)  }
0x295: {  	v33 =	vsub.f32 v57, v54;
	v34 =	vmin.f32 v62, v31;
	(xrf1) =	vsort.dscd.msk.f32 $0xffff, v63, v63  }
0x296: {  	v14 =	vmul.f32 s22, v14;
	v35 =	vmax.f32 v62, v31;
	(xrf1) =	vsort.ascd.msk.f32 $0xffff, v34, v34  }
0x297: {  	v37 =	vmul.f32 s22, v33;
	(xrf1) =	vsort.ascd.msk.f32 $0xffff, v35, v35  }
0x298: {  	v15 =	vadd.f32 v14, v15  }
0x299: {  	v39 =	vadd.f32 v37, v54;
	v41, _, _ =	vpop (xrf1)  }
0x29a: {  	v42 =	vmax.f32 v29, v12;
	v12, _, _ =	vpop (xrf1)  }
0x29b: {  	v43 =	vmin.f32 v40, v52;
	v44 =	vmin.f32 v51, v55;
	(xrf1) =	vsort.dscd.msk.f32 $0xffff, v39, v39;
	v14, _, _ =	vpop (xrf1)  }
0x29c: {  	v45 =	vmax.f32 v40, v52;
	v46 =	vmax.f32 v43, v44;
	(xrf1) =	vsort.ascd.msk.f32 $0xffff, v15, v15;
	v15, _, _ =	vpop (xrf1)  }
0x29d: {  	v25 =	vmax.f32 v51, v55;
	v24 =	vmin.f32 v43, v44;
	(xrf1) =	vsort.dscd.msk.f32 $0xffff, v46, v46;
	v47, _, _ =	vpop (xrf1)  }
0x29e: {  	v13 =	vmax.f32 v28, v13;
	v48 =	vmax.f32 v45, v25;
	(xrf1) =	vsort.dscd.msk.f32 $0xffff, v24, v24;
	v49, _, _ =	vpop (xrf1)  }
0x29f: {  	v50 =	vmax.f32 v27, v42;
	v19 =	vmin.f32 v45, v25;
	(xrf1) =	vsort.dscd.msk.f32 $0xffff, v48, v48;
	v51, _, _ =	vpop (xrf1)  }
0x2a0: {  	v52 =	vmax.f32 v26, v13;
	v53 =	vmax.f32 v41, v47;
	(xrf1) =	vsort.dscd.msk.f32 $0xffff, v19, v19;
	v54, _, _ =	vpop (xrf1)  }
0x2a1: {  	v23 =	vmin.f32 v27, v42;
	v55 =	vmax.f32 v50, v52;
	(xrf1) =	vsort.dscd.msk.f32 $0xffff, v53, v53;
	v56, _, _ =	vpop (xrf1)  }
0x2a2: {  	v13 =	vmin.f32 v26, v13;
	v57 =	vmin.f32 v50, v52;
	(xrf1) =	vsort.dscd.msk.f32 $0xffff, v55, v55;
	v58, _, _ =	vpop (xrf1)  }
0x2a3: {  	v13 =	vmax.f32 v23, v13;
	(xrf1) =	vsort.dscd.msk.f32 $0xffff, v57, v57;
	v59, _, _ =	vpop (xrf1)  }
0x2a4: {  	v60 =	vmin.f32 v54, v56;
	(xrf1) =	vsort.dscd.msk.f32 $0xffff, v13, v13;
	v61, _, _ =	vpop (xrf1)  }
0x2a5: {  	v19 =	vmax.f32 v54, v56;
	(xrf1) =	vsort.ascd.msk.f32 $0xffff, v60, v60;
	v62, _, _ =	vpop (xrf1)  }
0x2a6: {  	(xrf1) =	vsort.ascd.msk.f32 $0xffff, v19, v19;
	v63 =	vmax.f32 v58, v61;
	v33 =	vmax.f32 v59, v62  }
0x2a7: {  	v34 =	vmin.f32 v58, v61;
	v23 =	vmin.f32 v59, v62;
	v35 =	vmax.f32 v63, v33  }
0x2a8: {  	v27 =	vmax.f32 v34, v23;
	(xrf1) =	vsort.dscd.msk.f32 $0xffff, v35, v35  }
0x2a9: {  	v19 =	vmin.f32 v34, v23;
	v13 =	vmin.f32 v63, v33;
	(xrf1) =	vsort.dscd.msk.f32 $0xffff, v27, v27  }
0x2aa: {  	v36, _, _ =	vpop (xrf1);
	(xrf1) =	vsort.dscd.msk.f32 $0xffff, v19, v19  }
0x2ab: {  	v22 =	vmin.f32 v41, v47;
	v37, _, _ =	vpop (xrf1);
	(xrf1) =	vsort.dscd.msk.f32 $0xffff, v13, v13  }
0x2ac: {  	v38 =	vmin.f32 v49, v51;
	v13, _, _ =	vpop (xrf1);
	(xrf1) =	vsort.dscd.msk.f32 $0xffff, v22, v22  }
0x2ad: {  	v39 =	vmax.f32 v49, v51;
	v40, _, _ =	vpop (xrf1);
	(xrf1) =	vsort.ascd.msk.f32 $0xffff, v38, v38  }
0x2ae: {  	v25, _, _ =	vpop (xrf1);
	(xrf1) =	vsort.ascd.msk.f32 $0xffff, v39, v39  }
0x2af: {  	v22, _, _ =	vpop (xrf1)  }
0x2b0: {  	v41, _, _ =	vpop (xrf1)  }
0x2b1: {  	v27, _, _ =	vpop (xrf1)  }
0x2b2: {  	v28, _, _ =	vpop (xrf1)  }
0x2b3: {  	v29, _, _ =	vpop (xrf1)  }
0x2b4: {  	v42, _, _ =	vpop (xrf1)  }
0x2b5: {  	v43, _, _ =	vpop (xrf1)  }
0x2b6: {  	v44, _, _ =	vpop (xrf1)  }
0x2b7: {  	v45, _, _ =	vpop (xrf1)  }
0x2b8: {  	v46 =	vmax.f32 v36, v37;
	v19 =	vmin.f32 v36, v37;
	v47, _, _ =	vpop (xrf1)  }
0x2b9: {  	(xrf1) =	vsort.ascd.msk.f32 $0xffff, v19, v19;
	v48 =	vmax.f32 v45, v42;
	v23 =	vmax.f32 v47, v43;
	v49, _, _ =	vpop (xrf1)  }
0x2ba: {  	(xrf1) =	vsort.ascd.msk.f32 $0xffff, v46, v46;
	v50 =	vmax.f32 v44, v48;
	v51 =	vmax.f32 v49, v23;
	v52, _, _ =	vpop (xrf1)  }
0x2bb: {  	v19 =	vmin.f32 v44, v48;
	v23 =	vmin.f32 v49, v23;
	v53 =	vmax.f32 v50, v51;
	v54, _, _ =	vpop (xrf1)  }
0x2bc: {  	v55 =	vmin.f32 v50, v51;
	v19 =	vmax.f32 v19, v23;
	v56, _, _ =	vpop (xrf1);
	(xrf1) =	vsort.dscd.msk.f32 $0xffff, v53, v53  }
0x2bd: {  	v57 =	vmin.f32 v41, v54;
	(xrf1) =	vsort.dscd.msk.f32 $0xffff, v55, v55;
	v58 =	vmin.f32 v52, v56  }
0x2be: {  	v59 =	vmax.f32 v41, v54;
	(xrf1) =	vsort.dscd.msk.f32 $0xffff, v19, v19;
	v60 =	vmax.f32 v57, v58  }
0x2bf: {  	v61 =	vmax.f32 v52, v56;
	v23 =	vmin.f32 v57, v58;
	(xrf1) =	vsort.dscd.msk.f32 $0xffff, v60, v60  }
0x2c0: {  	v62 =	vmax.f32 v59, v61;
	(xrf1) =	vsort.dscd.msk.f32 $0xffff, v23, v23  }
0x2c1: {  	v19 =	vmin.f32 v59, v61;
	(xrf1) =	vsort.dscd.msk.f32 $0xffff, v62, v62  }
0x2c2: {  	(xrf1) =	vsort.dscd.msk.f32 $0xffff, v19, v19;
	_ =	sdelay $0x5  }
0x2c3: {  	v63, _, _ =	vpop (xrf1)  }
0x2c4: {  	[tilespmem:v11+s12+$0x0] =	vst.idx.msk $0xffff, v20;
	v34, _, _ =	vpop (xrf1)  }
0x2c5: {  	s29 =	sadd.s32 $0x1, s18;
	v10 =	vadd.s32 v8, v10;
	[tilespmem:v9+s12+$0x0] =	vst.idx.msk $0xffff, v21;
	v9 =	vmax.f32 v13, v16;
	v35, _, _ =	vpop (xrf1)  }
0x2c6: {  	v33 =	vmov s29;
	v39 =	vmax.f32 v40, v17;
	v40 =	vmax.f32 v25, v9;
	v37, _, _ =	vpop (xrf1)  }
0x2c7: {  	v9 =	vmin.f32 v25, v9;
	v24 =	vmax.f32 v22, v39;
	v16 =	vmin.f32 v22, v39;
	v38, _, _ =	vpop (xrf1)  }
0x2c8: {  	v17 =	vmin.f32 v40, v24;
	v9 =	vmax.f32 v9, v16;
	v48 =	vmov s20;
	v41, _, _ =	vpop (xrf1)  }
0x2c9: {  	v43 =	vmax.f32 v40, v24;
	v50 =	vand.u32 $0x1FE, v48;
	v23 =	vand.u32 $0x1FF, v33;
	v42, _, _ =	vpop (xrf1)  }
0x2ca: {  	v51 =	vadd.s32 v2, v50;
	v11 =	vadd.s32 v2, v23;
	v36 =	vadd.s32 v7, v23;
	v44, _, _ =	vpop (xrf1)  }
0x2cb: {  	(xrf1) =	vsort.dscd.msk.f32 $0xffff, v43, v43;
	v19 =	vmax.f32 v41, v63;
	v46 =	vmax.f32 v42, v34;
	v45, _, _ =	vpop (xrf1)  }
0x2cc: {  	(xrf1) =	vsort.dscd.msk.f32 $0xffff, v17, v17;
	v47 =	vmax.f32 v44, v19;
	v22 =	vmax.f32 v45, v46  }
0x2cd: {  	(xrf1) =	vsort.dscd.msk.f32 $0xffff, v9, v9;
	v9 =	vmin.f32 v44, v19;
	v49 =	vmax.f32 v47, v22  }
0x2ce: {  	s30 =	sadd.s32 $0x1, s19;
	v21 =	vmin.f32 v45, v46;
	v17 =	vmin.f32 v47, v22;
	(xrf1) =	vsort.dscd.msk.f32 $0xffff, v49, v49  }
0x2cf: {  	v52 =	vmov s30;
	v23 =	vadd.s32 v8, v23;
	v9 =	vmax.f32 v9, v21;
	(xrf1) =	vsort.dscd.msk.f32 $0xffff, v17, v17  }
0x2d0: {  	v53 =	vand.u32 $0x1FF, v52;
	[tilespmem:v11+s12+$0x0] =	vst.idx.msk $0xffff, v12;
	v11 =	vadd.s32 v7, v50;
	(xrf1) =	vsort.dscd.msk.f32 $0xffff, v9, v9  }
0x2d1: {  	[tilespmem:v10+s12+$0x0] =	vst.idx.msk $0xffff, v18;
	v9 =	vadd.s32 v2, v53  }
0x2d2: {  	v54 =	vadd.s32 v7, v53;
	[tilespmem:v51+s12+$0x0] =	vst.idx.msk $0xffff, v27  }
0x2d3: {  	v55 =	vmov s18;
	v10 =	vadd.s32 v8, v53;
	[tilespmem:v36+s12+$0x0] =	vst.idx.msk $0xffff, v14  }
0x2d4: {  	v56 =	vadd.s32 v8, v50;
	v12 =	vand.u32 $0x1FE, v55;
	[tilespmem:v23+s12+$0x0] =	vst.idx.msk $0xffff, v15  }
0x2d5: {  	[tilespmem:v11+s12+$0x0] =	vst.idx.msk $0xffff, v28;
	v11 =	vadd.s32 v2, v12  }
0x2d6: {  	v57 =	vmov s19;
	[tilespmem:v9+s12+$0x0] =	vst.idx.msk $0xffff, v35;
	v9 =	vadd.s32 v7, v12  }
0x2d7: {  	v58 =	vand.u32 $0x1FE, v57;
	v12 =	vadd.s32 v8, v12;
	[tilespmem:v54+s12+$0x0] =	vst.idx.msk $0xffff, v37  }
0x2d8: {  	[tilespmem:v10+s12+$0x0] =	vst.idx.msk $0xffff, v38;
	v10 =	vadd.s32 v2, v58  }
0x2d9: {  	v60 =	vadd.s32 v7, v58;
	[tilespmem:v56+s12+$0x0] =	vst.idx.msk $0xffff, v29;
	v59, _, _ =	vpop (xrf1)  }
0x2da: {  	s16 =	smul.u32 $0x930000, s16;
	v61, _, _ =	vpop (xrf1);
	[tilespmem:v11+s12+$0x0] =	vst.idx.msk $0xffff, v59;
	v11 =	vadd.s32 v8, v58  }
0x2db: {  	s17 =	smul.u32 $0x1C0, s17;
	v62, _, _ =	vpop (xrf1);
	[tilespmem:v9+s12+$0x0] =	vst.idx.msk $0xffff, v61  }
0x2dc: {  	[tilespmem:v12+s12+$0x0] =	vst.idx.msk $0xffff, v62;
	v9, _, _ =	vpop (xrf1)  }
0x2dd: {  	s16 =	sadd.s32 s16, s17;
	v63, _, _ =	vpop (xrf1);
	[tilespmem:v10+s12+$0x0] =	vst.idx.msk $0xffff, v9  }
0x2de: {  	s16 =	sshrl.u32 s16, $0x3;
	v9, _, _ =	vpop (xrf1);
	[tilespmem:v60+s12+$0x0] =	vst.idx.msk $0xffff, v63  }
0x2df: {  	s31 =	simm.s32 $0x1A700;
	s17 =	simm.s32 $0x720;
	s16 =	sadd.s32 s5, s16;
	[tilespmem:v11+s12+$0x0] =	vst.idx.msk $0xffff, v9  }
0x2e0: {  	[hbm4b:s16+s4] =	stream.linear.scatter [tilespmem:s31], [sflag:$0x2], $0x1C0, $0x38;
	[tilespmem:$0x1FC80] =	vst v63  }
.LBB2_8:
0x2e1: {  	p1 =	seq.s32 s17, $0x14EE0  }
.Ltmp2:
0x2e2: {  	_ = 	snop;
	(pc) =	sbr.rel @!p1 .LBB2_8-.Ltmp2, $4  }
0x2e3: {  	_ = 	snop  }
0x2e4: {  	s18 =	sshra.s32 s17, $0x2;
	s17 =	sadd.s32 $0x720, s17  }
0x2e5: {  	s16 =	sadd.s32 $0x6200, s16;
	s18 =	sadd.s32 $0x1A700, s18  }
0x2e6: {  	[hbm4b:s16+s4] =	stream.linear.scatter [tilespmem:s18], [sflag:$0x2], $0x1C0, $0x38;
	[tilespmem:$0x1FC80] =	vst v63  }
0x2e7: {  	p1 =	seq.s32 s15, $0x38  }
.Ltmp3:
0x2e8: {  	_ = 	snop;
	(pc) =	sbr.rel @!p1 .LBB2_3-.Ltmp3, $2  }
0x2e9: {  	_ =	sdelay $0x2  }
0x2ea: {  	p0 =	por !p0, !p0  }
0x2eb: {  	s14 =	sadd.s32 $0x1, s14  }
0x2ec: {  	p0 =	sne.s32 s14, s8  }
.Ltmp4:
0x2ed: {  	_ = 	snop;
	(pc) =	sbr.rel @p0 .LBB2_1-.Ltmp4, $4  }
0x2ee: {  	_ = 	snop  }
0x2ef: {  	_ =	swait.ge [sflag:s13], $0x5400  }
0x2f0: {  	[sflag:s13] =	ssyncset.done $0x0  }
0x2f1: {  	[sflag:s13] =	ssyncadd.s32 $0xFFFFAC00  }
0x2f2: {  	_ =	sfence.sel $0x180000  }
0x2f3: {  	[bflag:$0x0] =	sbarrier.arrive $0xFFFF  }
0x2f4: {  	p0 =	sne.s32 s0, $0x0;
	_ =	strace $0x90000047  }
0x2f5: {  	s0 =	sadd.s32 @!p0 $0x100000, s2;
	[bflag:$0x2] =	sbarrier.arrive $0xFFFF  }
0x2f6: {  	[sflag:s0] =	ssyncadd.tile.s32 @!p0 $0x1;
	_ =	shalt  }
.Lfunc_end2:
_tile_overlayer_lowered:
.L_overlay_start_2:
0x2f7: {  	(tag) =	ssettag $0x2  }
0x2f8: {  	s0 =	rddreg [dreg:$0x0];
	s2 =	stileid.u32  }
0x2f9: {  	s1 =	rddreg [dreg:$0x1];
	p0 =	sne.s32 s2, $0x0  }
0x2fa: {  	s3 =	rddreg [dreg:$0x2];
	[bflag:$0x3] =	sbarrier.arrive $0xFFFF;
	s2 =	simm.s32 @!p0 $0x1C03  }
0x2fb: {  	[timem:s3], [sflag:s2] =	dma.local @!p0 [hbm:s0], s1  }
0x2fc: {  	s0 =	simm.s32 @!p0 $0x3  }
0x2fd: {  	_ =	swait.ge @!p0 [sflag:s0], s1  }
0x2fe: {  	s1 =	ssub.s32 @!p0 $0x0, s1;
	[sflag:s0] =	ssyncset.done @!p0 $0x0  }
0x2ff: {  	[sflag:s0] =	ssyncadd.s32 @!p0 s1  }
0x300: {  	[bflag:$0x3] =	sbarrier.arrive $0xFFFF  }
0x301: {  	_ =	shalt  }

</sc_bundles>
